<compile_context>
chip_gen: v7x
topology: tpu7x:2x2x1
jax: 0.10.2.dev20260603
libtpu: 0.0.44.dev20260713+nightly
codegen_flags: <defaults>
</compile_context>

<pallas_src>
import functools

import jax
import jax.numpy as jnp
from jax import lax
from jax.experimental import pallas as pl
from jax.experimental.pallas import tpu as pltpu
from jax.experimental.pallas import tpu_sc as plsc

B = 4
S = 2048
D = 2048
N_ROUTES = 16
NVT = 100

S_BLK = 256
NS_BLK = S // S_BLK

NC = 2
NSUB = 16
NW = NC * NSUB
CHUNK = 8
CPB = 13
NCHUNK = B * CPB
NCHUNK_PAD = 2 * NW
NSLOT = 2 * CHUNK
LANES = 16


def _route_body(x_ref, m_ref, wr_ref, g_ref, acc_ref, cacc_ref):
    s = pl.program_id(0)
    xb = x_ref[...]
    mb = m_ref[...].astype(jnp.float32)
    part = jnp.sum(xb * mb[:, :, None], axis=1)
    cb = jnp.sum(mb, axis=1, keepdims=True)

    @pl.when(s == 0)
    def _():
        acc_ref[...] = part
        cacc_ref[...] = jnp.broadcast_to(cb, (B, 128))

    @pl.when(s > 0)
    def _():
        acc_ref[...] = acc_ref[...] + part
        cacc_ref[...] = cacc_ref[...] + cb

    @pl.when(s == NS_BLK - 1)
    def _finalize():
        cnt = jnp.maximum(cacc_ref[:, 0:1], 1.0)
        sent_all = acc_ref[...] / cnt
        logits = lax.dot_general(
            sent_all, wr_ref[...], (((1,), (1,)), ((), ())),
            precision=lax.Precision.HIGHEST,
            preferred_element_type=jnp.float32)
        z = logits - jnp.max(logits, axis=1, keepdims=True)
        ez = jnp.exp(z)
        p = ez / jnp.sum(ez, axis=1, keepdims=True)

        iota = lax.broadcasted_iota(jnp.int32, (B, N_ROUTES), 1)
        m1 = jnp.max(p, axis=1, keepdims=True)
        i1 = jnp.min(jnp.where(p == m1, iota, N_ROUTES), axis=1, keepdims=True)
        p2 = jnp.where(iota == i1, -1.0, p)
        m2 = jnp.max(p2, axis=1, keepdims=True)
        i2 = jnp.min(jnp.where(p2 == m2, iota, N_ROUTES), axis=1, keepdims=True)

        cq = lax.broadcasted_iota(jnp.int32, (NCHUNK_PAD, NSLOT), 0)
        tq = lax.broadcasted_iota(jnp.int32, (NCHUNK_PAD, NSLOT), 1)
        bq = jnp.minimum(cq // CPB, B - 1)
        kq = cq % CPB
        jg = jnp.minimum(kq * CHUNK + tq // 2, NVT - 1)
        route0g = (tq % 2) == 0
        route0w = tq < CHUNK
        valid = (cq < NCHUNK) & (kq * CHUNK + (tq % CHUNK) < NVT)
        gsel = jnp.zeros((NCHUNK_PAD, NSLOT), jnp.int32)
        wsel = jnp.zeros((NCHUNK_PAD, NSLOT), jnp.float32)
        for bb in range(B):
            t1 = lax.slice(i1, (bb, 0), (bb + 1, 1))
            t2 = lax.slice(i2, (bb, 0), (bb + 1, 1))
            v1 = lax.slice(m1, (bb, 0), (bb + 1, 1))
            v2 = lax.slice(m2, (bb, 0), (bb + 1, 1))
            gsel = gsel + jnp.where(bq == bb, jnp.where(route0g, t1, t2), 0)
            wsel = wsel + jnp.where(bq == bb, jnp.where(route0w, v1, v2), 0.0)
        g_ref[0:NCHUNK_PAD, :] = gsel * NVT + jg
        g_ref[NCHUNK_PAD:2 * NCHUNK_PAD, :] = (
            jnp.where(valid, wsel, 0.0) * float(1 << 24)).astype(jnp.int32)


_route = pl.pallas_call(
    _route_body,
    grid=(NS_BLK,),
    in_specs=[
        pl.BlockSpec((B, S_BLK, D), lambda s: (0, s, 0)),
        pl.BlockSpec((B, S_BLK), lambda s: (0, s)),
        pl.BlockSpec((N_ROUTES, D), lambda s: (0, 0)),
    ],
    out_specs=[
        pl.BlockSpec((2 * NCHUNK_PAD, NSLOT), lambda s: (0, 0)),
    ],
    out_shape=[
        jax.ShapeDtypeStruct((2 * NCHUNK_PAD, NSLOT), jnp.int32),
    ],
    scratch_shapes=[
        pltpu.VMEM((B, D), jnp.float32),
        pltpu.VMEM((B, 128), jnp.float32),
    ],
)

_SPLAT_DNUMS = lax.GatherDimensionNumbers(
    offset_dims=(), collapsed_slice_dims=(0,), start_index_map=(0,))


def _splat(vec, i):
    iv = jnp.full((LANES, 1), i, jnp.int32)
    return lax.gather(vec, iv, _SPLAT_DNUMS, (1,),
                      mode=lax.GatherScatterMode.PROMISE_IN_BOUNDS)


def _combine_chunk(c, t_v, rows, out_v):
    wrow = (t_v[NCHUNK_PAD + c, pl.ds(0, LANES)].astype(jnp.float32)
            * (1.0 / float(1 << 24)))

    def _row(l, carry):
        w0 = _splat(wrow, l)
        w1 = _splat(wrow, CHUNK + l)

        @plsc.parallel_loop(0, D, step=LANES, unroll=16)
        def _col(d):
            a = rows[2 * l, pl.ds(d, LANES)]
            b2 = rows[2 * l + 1, pl.ds(d, LANES)]
            out_v[l, pl.ds(d, LANES)] = a * w0 + b2 * w1

        return carry

    lax.fori_loop(0, CHUNK, _row, 0)


def _store_chunk(c, out_v, out_ref, sem_o):
    bc = c // CPB
    kc = c % CPB
    off = pl.multiple_of(kc * CHUNK, CHUNK)

    @pl.when(kc < CPB - 1)
    def _():
        pltpu.async_copy(out_v.at[pl.ds(0, CHUNK)],
                         out_ref.at[bc, pl.ds(off, CHUNK)], sem_o)

    @pl.when(kc == CPB - 1)
    def _():
        pltpu.async_copy(out_v.at[pl.ds(0, 4)],
                         out_ref.at[bc, pl.ds(off, 4)], sem_o)


def _wait_chunk(c, out_v, out_ref, sem_o):
    bc = c // CPB
    kc = c % CPB
    off = pl.multiple_of(kc * CHUNK, CHUNK)

    @pl.when(kc < CPB - 1)
    def _():
        pltpu.make_async_copy(out_v.at[pl.ds(0, CHUNK)],
                              out_ref.at[bc, pl.ds(off, CHUNK)], sem_o).wait()

    @pl.when(kc == CPB - 1)
    def _():
        pltpu.make_async_copy(out_v.at[pl.ds(0, 4)],
                              out_ref.at[bc, pl.ds(off, 4)], sem_o).wait()


def _combine_body(emb_ref, g_ref, out_ref, t_v,
                  rows_a, rows_b, out_va, out_vb, sem_a, sem_b, sem_o):
    wid = lax.axis_index("s") * NC + lax.axis_index("c")
    c0 = wid
    c1 = wid + NW
    pltpu.sync_copy(g_ref, t_v)
    cp_a = pltpu.async_copy(emb_ref.at[t_v.at[c0]], rows_a, sem_a)

    @pl.when(c1 < NCHUNK)
    def _():
        pltpu.async_copy(emb_ref.at[t_v.at[c1]], rows_b, sem_b)

    cp_a.wait()
    _combine_chunk(c0, t_v, rows_a, out_va)
    _store_chunk(c0, out_va, out_ref, sem_o)

    @pl.when(c1 < NCHUNK)
    def _():
        pltpu.make_async_copy(emb_ref.at[t_v.at[c1]], rows_b, sem_b).wait()
        _combine_chunk(c1, t_v, rows_b, out_vb)
        _store_chunk(c1, out_vb, out_ref, sem_o)
        _wait_chunk(c1, out_vb, out_ref, sem_o)

    _wait_chunk(c0, out_va, out_ref, sem_o)


@functools.cache
def _get_combine():
    return pl.kernel(
        _combine_body,
        out_type=jax.ShapeDtypeStruct((B, NVT, D), jnp.float32),
        mesh=plsc.VectorSubcoreMesh(core_axis_name="c", subcore_axis_name="s",
                                    num_cores=NC, num_subcores=NSUB),
        scratch_types=[
            pltpu.VMEM((2 * NCHUNK_PAD, NSLOT), jnp.int32),
            pltpu.VMEM((NSLOT, D), jnp.float32),
            pltpu.VMEM((NSLOT, D), jnp.float32),
            pltpu.VMEM((CHUNK, D), jnp.float32),
            pltpu.VMEM((CHUNK, D), jnp.float32),
            pltpu.SemaphoreType.DMA,
            pltpu.SemaphoreType.DMA,
            pltpu.SemaphoreType.DMA,
        ],
    )


def kernel(indices, input_ids, inputs_embeds, attention_mask, embedding, W_router):
    (tab,) = _route(inputs_embeds, attention_mask, W_router)
    return _get_combine()(embedding, tab)

# --- scband reference (transcript-rebuilt; emitter-appended) ---
"""Pipeline reference for scband-prompt-routing-embedding-13202729467982 (READ-ONLY COPY).

The authoritative reference and input builder live on the scoring server;
editing this copy changes nothing except your own understanding.
"""

import jax, jax.numpy as jnp
import numpy as np

B = 4
S = 2048
D = 2048
NVT_FULL = 1600
NVT = 100
N_ROUTES = NVT_FULL // NVT
TOPK = 2


def setup_inputs(seed: int = 0) -> dict:
    key = jax.random.key(seed)
    k1, k2, k3, k4, k5, k6 = jax.random.split(key, 6)
    indices = jax.random.randint(k1, (B,), 0, 1000, dtype=jnp.int64 if jax.config.jax_enable_x64 else jnp.int32).astype(jnp.int32)
    input_ids = jax.random.randint(k2, (B, S), 0, 32000).astype(jnp.int32)
    inputs_embeds = jax.random.normal(k3, (B, S, D), dtype=jnp.float32)
    attention_mask = jax.random.randint(k4, (B, S), 0, 2).astype(jnp.int32)
    # learned parameters
    embedding = jax.random.normal(k5, (NVT_FULL, D), dtype=jnp.float32) * 0.02
    W_router = jax.random.normal(k6, (N_ROUTES, D), dtype=jnp.float32) * 0.02
    return {
        "indices": indices,
        "input_ids": input_ids,
        "inputs_embeds": inputs_embeds,
        "attention_mask": attention_mask,
        "embedding": embedding,
        "W_router": W_router,
    }


def reference(indices, input_ids, inputs_embeds, attention_mask, embedding, W_router):
    # deterministic routing path (stochastic=False, gumbel=False, eval-mode dropout/noise = identity)
    mask = attention_mask.astype(jnp.float32)
    sentence_sum = jnp.sum(inputs_embeds * mask[..., None], axis=1)
    non_zero_count = jnp.clip(jnp.sum(mask, axis=1, keepdims=True), 1.0, None)
    sentence_embeds = sentence_sum / non_zero_count
    # router: linear (no bias) -> softmax
    logits = sentence_embeds @ W_router.T
    probs = jax.nn.softmax(logits, axis=-1)
    values, idx = jax.lax.top_k(probs, TOPK)  # [B, k]
    # k > 1 branch: expand each selected route into its block of virtual tokens
    idx_full = (idx * NVT)[..., None] + jnp.arange(NVT, dtype=idx.dtype)[None, None, :]  # [B, k, NVT]
    gathered = jnp.take(embedding, idx_full, axis=0)  # [B, k, NVT, D]
    prompt_embeddings = gathered * values[..., None, None]
    prompt_embeddings = jnp.sum(prompt_embeddings, axis=1)  # [B, NVT, D]
    return prompt_embeddings

if __name__ == "__main__":
    import jax
    _d = setup_inputs()
    print(jax.jit(kernel)(*tuple(_d.values())))

</pallas_src>

<mosaic_0001>
#map = affine_map<(d0, d1) -> (0, 0)>
#map1 = affine_map<(d0, d1) -> (0, 0, 0)>
module attributes {stable_mosaic.version = 14 : i64} {
  func.func @_combine_body(%arg0: i32, %arg1: i32, %arg2: memref<1600x2048xf32, #tpu.memory_space<hbm>>, %arg3: memref<128x16xi32, #tpu.memory_space<hbm>>, %arg4: memref<4x100x2048xf32, #tpu.memory_space<hbm>>, %arg5: memref<128x16xi32, #tpu.memory_space<vmem>>, %arg6: memref<16x2048xf32, #tpu.memory_space<vmem>>, %arg7: memref<16x2048xf32, #tpu.memory_space<vmem>>, %arg8: memref<8x2048xf32, #tpu.memory_space<vmem>>, %arg9: memref<8x2048xf32, #tpu.memory_space<vmem>>, %arg10: memref<!tpu.dma_semaphore, #tpu.memory_space<semaphore_mem>>, %arg11: memref<!tpu.dma_semaphore, #tpu.memory_space<semaphore_mem>>, %arg12: memref<!tpu.dma_semaphore, #tpu.memory_space<semaphore_mem>>) attributes {dimension_semantics = [#tpu.dimension_semantics<core_parallel>, #tpu.dimension_semantics<subcore_parallel>], iteration_bounds = array<i64: 2, 16>, scalar_prefetch = 0 : i64, scratch_operands = 8 : i64, tpu.core_type = #tpu.core_type<sc_vector_subcore>, window_params = [{transform_indices = #map}, {transform_indices = #map}, {transform_indices = #map1}]} {
    %mul3A = arith.constant 2 : i32
    %mul3A_0 = arith.muli %arg1, %mul3A : i32
    %add3A = arith.addi %mul3A_0, %arg0 : i32
    %add3A_1 = arith.constant 32 : i32
    %add3A_2 = arith.addi %add3A, %add3A_1 : i32
    "tpu.region"() ({
      %run_scoped3A = tpu.sem_alloc : memref<!tpu.dma_semaphore, #tpu.memory_space<semaphore_mem>>
      tpu.enqueue_dma source(%arg3 : memref<128x16xi32, #tpu.memory_space<hbm>>) target(%arg5 : memref<128x16xi32, #tpu.memory_space<vmem>>) target_semaphore(%run_scoped3A : memref<!tpu.dma_semaphore, #tpu.memory_space<semaphore_mem>>)
      tpu.wait_dma2 semaphore(%run_scoped3A : memref<!tpu.dma_semaphore, #tpu.memory_space<semaphore_mem>>) src(%arg3 : memref<128x16xi32, #tpu.memory_space<hbm>>) dst(%arg5 : memref<128x16xi32, #tpu.memory_space<vmem>>)
      tpu.yield
    }) : () -> ()
    %dma_start3A = arith.constant 0 : i32
    %dma_start3A_3 = tpu.memref_slice %arg5[%add3A, %dma_start3A] : memref<128x16xi32, #tpu.memory_space<vmem>> -> memref<1x16xi32, #tpu.memory_space<vmem>>
    %dma_start3A_4 = tpu.memref_squeeze %dma_start3A_3 : memref<1x16xi32, #tpu.memory_space<vmem>> -> memref<16xi32, #tpu.memory_space<vmem>>
    %dma_start3A_5 = arith.constant 0 : i32
    %dma_start3A_6 = arith.constant 0 : i32
    %dma_start3A_7 = tpu.memref_slice %arg2[%dma_start3A_5, %dma_start3A_6] : memref<1600x2048xf32, #tpu.memory_space<hbm>> -> memref<1600x2048xf32, #tpu.memory_space<hbm>>
    tpu.enqueue_indirect_dma source(%dma_start3A_7 : memref<1600x2048xf32, #tpu.memory_space<hbm>>) target(%arg6 : memref<16x2048xf32, #tpu.memory_space<vmem>>) offsets(%dma_start3A_4 : memref<16xi32, #tpu.memory_space<vmem>>) semaphore(%arg10 : memref<!tpu.dma_semaphore, #tpu.memory_space<semaphore_mem>>)
    %lt3A = arith.constant 52 : i32
    %lt3A_8 = arith.cmpi slt, %add3A_2, %lt3A : i32
    %convert_element_type3A = arith.extui %lt3A_8 : i1 to i32
    %cond3A = arith.constant 0 : i32
    %cond3A_9 = arith.cmpi ne, %convert_element_type3A, %cond3A : i32
    scf.if %cond3A_9 {
      %dma_start3A_130 = arith.constant 0 : i32
      %dma_start3A_131 = tpu.memref_slice %arg5[%add3A_2, %dma_start3A_130] : memref<128x16xi32, #tpu.memory_space<vmem>> -> memref<1x16xi32, #tpu.memory_space<vmem>>
      %dma_start3A_132 = tpu.memref_squeeze %dma_start3A_131 : memref<1x16xi32, #tpu.memory_space<vmem>> -> memref<16xi32, #tpu.memory_space<vmem>>
      %dma_start3A_133 = arith.constant 0 : i32
      %dma_start3A_134 = arith.constant 0 : i32
      %dma_start3A_135 = tpu.memref_slice %arg2[%dma_start3A_133, %dma_start3A_134] : memref<1600x2048xf32, #tpu.memory_space<hbm>> -> memref<1600x2048xf32, #tpu.memory_space<hbm>>
      tpu.enqueue_indirect_dma source(%dma_start3A_135 : memref<1600x2048xf32, #tpu.memory_space<hbm>>) target(%arg7 : memref<16x2048xf32, #tpu.memory_space<vmem>>) offsets(%dma_start3A_132 : memref<16xi32, #tpu.memory_space<vmem>>) semaphore(%arg11 : memref<!tpu.dma_semaphore, #tpu.memory_space<semaphore_mem>>)
    } else {
    }
    %dma_wait3A = arith.constant 0 : i32
    %dma_wait3A_10 = tpu.memref_slice %arg5[%add3A, %dma_wait3A] : memref<128x16xi32, #tpu.memory_space<vmem>> -> memref<1x16xi32, #tpu.memory_space<vmem>>
    %dma_wait3A_11 = tpu.memref_squeeze %dma_wait3A_10 : memref<1x16xi32, #tpu.memory_space<vmem>> -> memref<16xi32, #tpu.memory_space<vmem>>
    %dma_wait3A_12 = arith.constant 0 : i32
    %dma_wait3A_13 = arith.constant 0 : i32
    %dma_wait3A_14 = tpu.memref_slice %arg2[%dma_wait3A_12, %dma_wait3A_13] : memref<1600x2048xf32, #tpu.memory_space<hbm>> -> memref<1600x2048xf32, #tpu.memory_space<hbm>>
    tpu.wait_indirect_dma semaphore(%arg10 : memref<!tpu.dma_semaphore, #tpu.memory_space<semaphore_mem>>) src(%dma_wait3A_14 : memref<1600x2048xf32, #tpu.memory_space<hbm>>) dst(%arg6 : memref<16x2048xf32, #tpu.memory_space<vmem>>)
    %add3A_15 = arith.constant 64 : i32
    %add3A_16 = arith.addi %add3A_15, %add3A : i32
    %get3A = arith.index_cast %add3A_16 : i32 to index
    %get3A_17 = arith.constant 0 : index
    %get3A_18 = tpu.vector_load %arg5[%get3A, %get3A_17] {strides = array<i32>} : memref<128x16xi32, #tpu.memory_space<vmem>>, vector<1x16xi32>,
    %get3A_19 = vector.shape_cast %get3A_18 : vector<1x16xi32> to vector<16xi32>
    %convert_element_type3A_20 = arith.sitofp %get3A_19 : vector<16xi32> to vector<16xf32>
    %mul3A_21 = arith.constant 5.96046448E-8 : f32
    %mul3A_22 = vector.broadcast %mul3A_21 : f32 to vector<16xf32>
    %mul3A_23 = arith.mulf %convert_element_type3A_20, %mul3A_22 : vector<16xf32>
    %scan3A = arith.constant 0 : i32
    %scan3A_24 = arith.constant 0 : i32
    %scan3A_25 = arith.constant 8 : i32
    %scan3A_26 = arith.addi %scan3A_24, %scan3A_25 : i32
    %scan3A_27 = arith.constant 1 : i32
    scf.for %scan3A_130 = %scan3A_24 to %scan3A_26 step %scan3A_27  : i32 {
      %broadcast_in_dim3A = vector.broadcast %scan3A_130 : i32 to vector<16x1xi32>
      %gather3A = vector.shape_cast %broadcast_in_dim3A : vector<16x1xi32> to vector<16xi32>
      %gather3A_131 = tpu.dynamic_gather %mul3A_23[%gather3A] in [0] : vector<16xf32>, vector<16xi32> -> vector<16xf32>
      %add3A_132 = arith.constant 8 : i32
      %add3A_133 = arith.addi %add3A_132, %scan3A_130 : i32
      %broadcast_in_dim3A_134 = vector.broadcast %add3A_133 : i32 to vector<16x1xi32>
      %gather3A_135 = vector.shape_cast %broadcast_in_dim3A_134 : vector<16x1xi32> to vector<16xi32>
      %gather3A_136 = tpu.dynamic_gather %mul3A_23[%gather3A_135] in [0] : vector<16xf32>, vector<16xi32> -> vector<16xf32>
      %parallel_loop3A = arith.constant 0 : i32
      %parallel_loop3A_137 = arith.constant 2048 : i32
      %parallel_loop3A_138 = arith.constant 16 : i32
      scf.for %parallel_loop3A_139 = %parallel_loop3A to %parallel_loop3A_137 step %parallel_loop3A_138  : i32 {
        %parallel_loop3A_140 = arith.constant 2 : i32
        %parallel_loop3A_141 = arith.muli %parallel_loop3A_140, %scan3A_130 : i32
        %parallel_loop3A_142 = arith.index_cast %parallel_loop3A_141 : i32 to index
        %parallel_loop3A_143 = arith.index_cast %parallel_loop3A_139 : i32 to index
        %parallel_loop3A_144 = tpu.vector_load %arg6[%parallel_loop3A_142, %parallel_loop3A_143] {strides = array<i32>} : memref<16x2048xf32, #tpu.memory_space<vmem>>, vector<1x16xf32>,
        %parallel_loop3A_145 = vector.shape_cast %parallel_loop3A_144 : vector<1x16xf32> to vector<16xf32>
        %parallel_loop3A_146 = arith.constant 2 : i32
        %parallel_loop3A_147 = arith.muli %parallel_loop3A_146, %scan3A_130 : i32
        %parallel_loop3A_148 = arith.constant 1 : i32
        %parallel_loop3A_149 = arith.addi %parallel_loop3A_147, %parallel_loop3A_148 : i32
        %parallel_loop3A_150 = arith.index_cast %parallel_loop3A_149 : i32 to index
        %parallel_loop3A_151 = arith.index_cast %parallel_loop3A_139 : i32 to index
        %parallel_loop3A_152 = tpu.vector_load %arg6[%parallel_loop3A_150, %parallel_loop3A_151] {strides = array<i32>} : memref<16x2048xf32, #tpu.memory_space<vmem>>, vector<1x16xf32>,
        %parallel_loop3A_153 = vector.shape_cast %parallel_loop3A_152 : vector<1x16xf32> to vector<16xf32>
        %parallel_loop3A_154 = arith.mulf %parallel_loop3A_145, %gather3A_131 : vector<16xf32>
        %parallel_loop3A_155 = arith.mulf %parallel_loop3A_153, %gather3A_136 : vector<16xf32>
        %parallel_loop3A_156 = arith.addf %parallel_loop3A_154, %parallel_loop3A_155 : vector<16xf32>
        %parallel_loop3A_157 = arith.index_cast %scan3A_130 : i32 to index
        %parallel_loop3A_158 = arith.index_cast %parallel_loop3A_139 : i32 to index
        %parallel_loop3A_159 = tpu.vector_load %arg8[%parallel_loop3A_157, %parallel_loop3A_158] {strides = array<i32>} : memref<8x2048xf32, #tpu.memory_space<vmem>>, vector<1x16xf32>,
        %parallel_loop3A_160 = vector.shape_cast %parallel_loop3A_159 : vector<1x16xf32> to vector<16xf32>
        %parallel_loop3A_161 = vector.shape_cast %parallel_loop3A_156 : vector<16xf32> to vector<1x16xf32>
        tpu.vector_store %arg8[%parallel_loop3A_157, %parallel_loop3A_158], %parallel_loop3A_161 {strides = array<i32>} : memref<8x2048xf32, #tpu.memory_space<vmem>>, vector<1x16xf32>,
      } {sc.loop_unroll_factor = 16 : i64, sc.parallel_access}
    }
    %scan3A_28 = arith.constant 8 : i32
    %jit3A = arith.constant 13 : i32
    %div3A = arith.divsi %add3A, %jit3A : i32
    %sign3A = arith.constant 0 : i32
    %sign3A_29 = arith.cmpi sgt, %add3A, %sign3A : i32
    %sign3A_30 = arith.extui %sign3A_29 : i1 to i32
    %sign3A_31 = arith.constant 0 : i32
    %sign3A_32 = arith.cmpi slt, %add3A, %sign3A_31 : i32
    %sign3A_33 = arith.extui %sign3A_32 : i1 to i32
    %sign3A_34 = arith.subi %sign3A_30, %sign3A_33 : i32
    %sign3A_35 = arith.constant 0 : i32
    %sign3A_36 = arith.cmpi sgt, %jit3A, %sign3A_35 : i32
    %sign3A_37 = arith.extui %sign3A_36 : i1 to i32
    %sign3A_38 = arith.constant 0 : i32
    %sign3A_39 = arith.cmpi slt, %jit3A, %sign3A_38 : i32
    %sign3A_40 = arith.extui %sign3A_39 : i1 to i32
    %sign3A_41 = arith.subi %sign3A_37, %sign3A_40 : i32
    %ne3A = arith.cmpi ne, %sign3A_34, %sign3A_41 : i32
    %rem3A = arith.remsi %add3A, %jit3A : i32
    %ne3A_42 = arith.constant 0 : i32
    %ne3A_43 = arith.cmpi ne, %rem3A, %ne3A_42 : i32
    %and3A = arith.andi %ne3A, %ne3A_43 : i1
    %sub3A = arith.constant 1 : i32
    %sub3A_44 = arith.subi %div3A, %sub3A : i32
    %select_n3A = arith.select %and3A, %sub3A_44, %div3A : i32
    %jit3A_45 = arith.constant 13 : i32
    %eq3A = arith.constant 0 : i32
    %eq3A_46 = arith.cmpi eq, %jit3A_45, %eq3A : i32
    %jit3A_47 = arith.constant 1 : i32
    %select_n3A_48 = arith.select %eq3A_46, %jit3A_47, %jit3A_45 : i32
    %rem3A_49 = arith.remsi %add3A, %select_n3A_48 : i32
    %ne3A_50 = arith.constant 0 : i32
    %ne3A_51 = arith.cmpi ne, %rem3A_49, %ne3A_50 : i32
    %lt3A_52 = arith.constant 0 : i32
    %lt3A_53 = arith.cmpi slt, %rem3A_49, %lt3A_52 : i32
    %lt3A_54 = arith.constant 0 : i32
    %lt3A_55 = arith.cmpi slt, %select_n3A_48, %lt3A_54 : i32
    %ne3A_56 = arith.xori %lt3A_53, %lt3A_55 : i1
    %and3A_57 = arith.andi %ne3A_56, %ne3A_51 : i1
    %add3A_58 = arith.addi %rem3A_49, %select_n3A_48 : i32
    %select_n3A_59 = arith.select %and3A_57, %add3A_58, %rem3A_49 : i32
    %mul3A_60 = arith.constant 8 : i32
    %mul3A_61 = arith.muli %select_n3A_59, %mul3A_60 : i32
    %multiple_of3A = tpu.assume_multiple %mul3A_61, 8 : i32
    %lt3A_62 = arith.constant 12 : i32
    %lt3A_63 = arith.cmpi slt, %select_n3A_59, %lt3A_62 : i32
    %convert_element_type3A_64 = arith.extui %lt3A_63 : i1 to i32
    %cond3A_65 = arith.constant 0 : i32
    %cond3A_66 = arith.cmpi ne, %convert_element_type3A_64, %cond3A_65 : i32
    scf.if %cond3A_66 {
      %dma_start3A_130 = arith.constant 0 : i32
      %dma_start3A_131 = arith.constant 0 : i32
      %dma_start3A_132 = tpu.memref_slice %arg8[%dma_start3A_130, %dma_start3A_131] : memref<8x2048xf32, #tpu.memory_space<vmem>> -> memref<8x2048xf32, #tpu.memory_space<vmem>>
      %dma_start3A_133 = arith.constant 0 : i32
      %dma_start3A_134 = tpu.memref_slice %arg4[%select_n3A, %multiple_of3A, %dma_start3A_133] : memref<4x100x2048xf32, #tpu.memory_space<hbm>> -> memref<1x8x2048xf32, #tpu.memory_space<hbm>>
      %dma_start3A_135 = tpu.memref_squeeze %dma_start3A_134 : memref<1x8x2048xf32, #tpu.memory_space<hbm>> -> memref<8x2048xf32, #tpu.memory_space<hbm>>
      %dma_start3A_136 = arith.constant 0 : i32
      %dma_start3A_137 = tpu.memref_slice %arg4[%select_n3A, %multiple_of3A, %dma_start3A_136] : memref<4x100x2048xf32, #tpu.memory_space<hbm>> -> memref<1x8x2048xf32, #tpu.memory_space<hbm>>
      %dma_start3A_138 = tpu.memref_squeeze %dma_start3A_137 : memref<1x8x2048xf32, #tpu.memory_space<hbm>> -> memref<8x2048xf32, #tpu.memory_space<hbm>>
      %dma_start3A_139 = arith.constant 0 : i32
      %dma_start3A_140 = arith.constant 0 : i32
      %dma_start3A_141 = tpu.memref_slice %arg8[%dma_start3A_139, %dma_start3A_140] : memref<8x2048xf32, #tpu.memory_space<vmem>> -> memref<8x2048xf32, #tpu.memory_space<vmem>>
      tpu.enqueue_dma source(%dma_start3A_141 : memref<8x2048xf32, #tpu.memory_space<vmem>>) target(%dma_start3A_138 : memref<8x2048xf32, #tpu.memory_space<hbm>>) target_semaphore(%arg12 : memref<!tpu.dma_semaphore, #tpu.memory_space<semaphore_mem>>)
    } else {
    }
    %eq3A_67 = arith.constant 12 : i32
    %eq3A_68 = arith.cmpi eq, %select_n3A_59, %eq3A_67 : i32
    %convert_element_type3A_69 = arith.extui %eq3A_68 : i1 to i32
    %cond3A_70 = arith.constant 0 : i32
    %cond3A_71 = arith.cmpi ne, %convert_element_type3A_69, %cond3A_70 : i32
    scf.if %cond3A_71 {
      %dma_start3A_130 = arith.constant 0 : i32
      %dma_start3A_131 = arith.constant 0 : i32
      %dma_start3A_132 = tpu.memref_slice %arg8[%dma_start3A_130, %dma_start3A_131] : memref<8x2048xf32, #tpu.memory_space<vmem>> -> memref<4x2048xf32, #tpu.memory_space<vmem>>
      %dma_start3A_133 = arith.constant 0 : i32
      %dma_start3A_134 = tpu.memref_slice %arg4[%select_n3A, %multiple_of3A, %dma_start3A_133] : memref<4x100x2048xf32, #tpu.memory_space<hbm>> -> memref<1x4x2048xf32, #tpu.memory_space<hbm>>
      %dma_start3A_135 = tpu.memref_squeeze %dma_start3A_134 : memref<1x4x2048xf32, #tpu.memory_space<hbm>> -> memref<4x2048xf32, #tpu.memory_space<hbm>>
      %dma_start3A_136 = arith.constant 0 : i32
      %dma_start3A_137 = tpu.memref_slice %arg4[%select_n3A, %multiple_of3A, %dma_start3A_136] : memref<4x100x2048xf32, #tpu.memory_space<hbm>> -> memref<1x4x2048xf32, #tpu.memory_space<hbm>>
      %dma_start3A_138 = tpu.memref_squeeze %dma_start3A_137 : memref<1x4x2048xf32, #tpu.memory_space<hbm>> -> memref<4x2048xf32, #tpu.memory_space<hbm>>
      %dma_start3A_139 = arith.constant 0 : i32
      %dma_start3A_140 = arith.constant 0 : i32
      %dma_start3A_141 = tpu.memref_slice %arg8[%dma_start3A_139, %dma_start3A_140] : memref<8x2048xf32, #tpu.memory_space<vmem>> -> memref<4x2048xf32, #tpu.memory_space<vmem>>
      tpu.enqueue_dma source(%dma_start3A_141 : memref<4x2048xf32, #tpu.memory_space<vmem>>) target(%dma_start3A_138 : memref<4x2048xf32, #tpu.memory_space<hbm>>) target_semaphore(%arg12 : memref<!tpu.dma_semaphore, #tpu.memory_space<semaphore_mem>>)
    } else {
    }
    %lt3A_72 = arith.constant 52 : i32
    %lt3A_73 = arith.cmpi slt, %add3A_2, %lt3A_72 : i32
    %convert_element_type3A_74 = arith.extui %lt3A_73 : i1 to i32
    %cond3A_75 = arith.constant 0 : i32
    %cond3A_76 = arith.cmpi ne, %convert_element_type3A_74, %cond3A_75 : i32
    scf.if %cond3A_76 {
      %dma_wait3A_130 = arith.constant 0 : i32
      %dma_wait3A_131 = tpu.memref_slice %arg5[%add3A_2, %dma_wait3A_130] : memref<128x16xi32, #tpu.memory_space<vmem>> -> memref<1x16xi32, #tpu.memory_space<vmem>>
      %dma_wait3A_132 = tpu.memref_squeeze %dma_wait3A_131 : memref<1x16xi32, #tpu.memory_space<vmem>> -> memref<16xi32, #tpu.memory_space<vmem>>
      %dma_wait3A_133 = arith.constant 0 : i32
      %dma_wait3A_134 = arith.constant 0 : i32
      %dma_wait3A_135 = tpu.memref_slice %arg2[%dma_wait3A_133, %dma_wait3A_134] : memref<1600x2048xf32, #tpu.memory_space<hbm>> -> memref<1600x2048xf32, #tpu.memory_space<hbm>>
      tpu.wait_indirect_dma semaphore(%arg11 : memref<!tpu.dma_semaphore, #tpu.memory_space<semaphore_mem>>) src(%dma_wait3A_135 : memref<1600x2048xf32, #tpu.memory_space<hbm>>) dst(%arg7 : memref<16x2048xf32, #tpu.memory_space<vmem>>)
      %add3A_136 = arith.constant 64 : i32
      %add3A_137 = arith.addi %add3A_136, %add3A_2 : i32
      %get3A_138 = arith.index_cast %add3A_137 : i32 to index
      %get3A_139 = arith.constant 0 : index
      %get3A_140 = tpu.vector_load %arg5[%get3A_138, %get3A_139] {strides = array<i32>} : memref<128x16xi32, #tpu.memory_space<vmem>>, vector<1x16xi32>,
      %get3A_141 = vector.shape_cast %get3A_140 : vector<1x16xi32> to vector<16xi32>
      %convert_element_type3A_142 = arith.sitofp %get3A_141 : vector<16xi32> to vector<16xf32>
      %mul3A_143 = arith.constant 5.96046448E-8 : f32
      %mul3A_144 = vector.broadcast %mul3A_143 : f32 to vector<16xf32>
      %mul3A_145 = arith.mulf %convert_element_type3A_142, %mul3A_144 : vector<16xf32>
      %scan3A_146 = arith.constant 0 : i32
      %scan3A_147 = arith.constant 0 : i32
      %scan3A_148 = arith.constant 8 : i32
      %scan3A_149 = arith.addi %scan3A_147, %scan3A_148 : i32
      %scan3A_150 = arith.constant 1 : i32
      scf.for %scan3A_258 = %scan3A_147 to %scan3A_149 step %scan3A_150  : i32 {
        %broadcast_in_dim3A = vector.broadcast %scan3A_258 : i32 to vector<16x1xi32>
        %gather3A = vector.shape_cast %broadcast_in_dim3A : vector<16x1xi32> to vector<16xi32>
        %gather3A_259 = tpu.dynamic_gather %mul3A_145[%gather3A] in [0] : vector<16xf32>, vector<16xi32> -> vector<16xf32>
        %add3A_260 = arith.constant 8 : i32
        %add3A_261 = arith.addi %add3A_260, %scan3A_258 : i32
        %broadcast_in_dim3A_262 = vector.broadcast %add3A_261 : i32 to vector<16x1xi32>
        %gather3A_263 = vector.shape_cast %broadcast_in_dim3A_262 : vector<16x1xi32> to vector<16xi32>
        %gather3A_264 = tpu.dynamic_gather %mul3A_145[%gather3A_263] in [0] : vector<16xf32>, vector<16xi32> -> vector<16xf32>
        %parallel_loop3A = arith.constant 0 : i32
        %parallel_loop3A_265 = arith.constant 2048 : i32
        %parallel_loop3A_266 = arith.constant 16 : i32
        scf.for %parallel_loop3A_267 = %parallel_loop3A to %parallel_loop3A_265 step %parallel_loop3A_266  : i32 {
          %parallel_loop3A_268 = arith.constant 2 : i32
          %parallel_loop3A_269 = arith.muli %parallel_loop3A_268, %scan3A_258 : i32
          %parallel_loop3A_270 = arith.index_cast %parallel_loop3A_269 : i32 to index
          %parallel_loop3A_271 = arith.index_cast %parallel_loop3A_267 : i32 to index
          %parallel_loop3A_272 = tpu.vector_load %arg7[%parallel_loop3A_270, %parallel_loop3A_271] {strides = array<i32>} : memref<16x2048xf32, #tpu.memory_space<vmem>>, vector<1x16xf32>,
          %parallel_loop3A_273 = vector.shape_cast %parallel_loop3A_272 : vector<1x16xf32> to vector<16xf32>
          %parallel_loop3A_274 = arith.constant 2 : i32
          %parallel_loop3A_275 = arith.muli %parallel_loop3A_274, %scan3A_258 : i32
          %parallel_loop3A_276 = arith.constant 1 : i32
          %parallel_loop3A_277 = arith.addi %parallel_loop3A_275, %parallel_loop3A_276 : i32
          %parallel_loop3A_278 = arith.index_cast %parallel_loop3A_277 : i32 to index
          %parallel_loop3A_279 = arith.index_cast %parallel_loop3A_267 : i32 to index
          %parallel_loop3A_280 = tpu.vector_load %arg7[%parallel_loop3A_278, %parallel_loop3A_279] {strides = array<i32>} : memref<16x2048xf32, #tpu.memory_space<vmem>>, vector<1x16xf32>,
          %parallel_loop3A_281 = vector.shape_cast %parallel_loop3A_280 : vector<1x16xf32> to vector<16xf32>
          %parallel_loop3A_282 = arith.mulf %parallel_loop3A_273, %gather3A_259 : vector<16xf32>
          %parallel_loop3A_283 = arith.mulf %parallel_loop3A_281, %gather3A_264 : vector<16xf32>
          %parallel_loop3A_284 = arith.addf %parallel_loop3A_282, %parallel_loop3A_283 : vector<16xf32>
          %parallel_loop3A_285 = arith.index_cast %scan3A_258 : i32 to index
          %parallel_loop3A_286 = arith.index_cast %parallel_loop3A_267 : i32 to index
          %parallel_loop3A_287 = tpu.vector_load %arg9[%parallel_loop3A_285, %parallel_loop3A_286] {strides = array<i32>} : memref<8x2048xf32, #tpu.memory_space<vmem>>, vector<1x16xf32>,
          %parallel_loop3A_288 = vector.shape_cast %parallel_loop3A_287 : vector<1x16xf32> to vector<16xf32>
          %parallel_loop3A_289 = vector.shape_cast %parallel_loop3A_284 : vector<16xf32> to vector<1x16xf32>
          tpu.vector_store %arg9[%parallel_loop3A_285, %parallel_loop3A_286], %parallel_loop3A_289 {strides = array<i32>} : memref<8x2048xf32, #tpu.memory_space<vmem>>, vector<1x16xf32>,
        } {sc.loop_unroll_factor = 16 : i64, sc.parallel_access}
      }
      %scan3A_151 = arith.constant 8 : i32
      %jit3A_152 = arith.constant 13 : i32
      %div3A_153 = arith.divsi %add3A_2, %jit3A_152 : i32
      %sign3A_154 = arith.constant 0 : i32
      %sign3A_155 = arith.cmpi sgt, %add3A_2, %sign3A_154 : i32
      %sign3A_156 = arith.extui %sign3A_155 : i1 to i32
      %sign3A_157 = arith.constant 0 : i32
      %sign3A_158 = arith.cmpi slt, %add3A_2, %sign3A_157 : i32
      %sign3A_159 = arith.extui %sign3A_158 : i1 to i32
      %sign3A_160 = arith.subi %sign3A_156, %sign3A_159 : i32
      %sign3A_161 = arith.constant 0 : i32
      %sign3A_162 = arith.cmpi sgt, %jit3A_152, %sign3A_161 : i32
      %sign3A_163 = arith.extui %sign3A_162 : i1 to i32
      %sign3A_164 = arith.constant 0 : i32
      %sign3A_165 = arith.cmpi slt, %jit3A_152, %sign3A_164 : i32
      %sign3A_166 = arith.extui %sign3A_165 : i1 to i32
      %sign3A_167 = arith.subi %sign3A_163, %sign3A_166 : i32
      %ne3A_168 = arith.cmpi ne, %sign3A_160, %sign3A_167 : i32
      %rem3A_169 = arith.remsi %add3A_2, %jit3A_152 : i32
      %ne3A_170 = arith.constant 0 : i32
      %ne3A_171 = arith.cmpi ne, %rem3A_169, %ne3A_170 : i32
      %and3A_172 = arith.andi %ne3A_168, %ne3A_171 : i1
      %sub3A_173 = arith.constant 1 : i32
      %sub3A_174 = arith.subi %div3A_153, %sub3A_173 : i32
      %select_n3A_175 = arith.select %and3A_172, %sub3A_174, %div3A_153 : i32
      %jit3A_176 = arith.constant 13 : i32
      %eq3A_177 = arith.constant 0 : i32
      %eq3A_178 = arith.cmpi eq, %jit3A_176, %eq3A_177 : i32
      %jit3A_179 = arith.constant 1 : i32
      %select_n3A_180 = arith.select %eq3A_178, %jit3A_179, %jit3A_176 : i32
      %rem3A_181 = arith.remsi %add3A_2, %select_n3A_180 : i32
      %ne3A_182 = arith.constant 0 : i32
      %ne3A_183 = arith.cmpi ne, %rem3A_181, %ne3A_182 : i32
      %lt3A_184 = arith.constant 0 : i32
      %lt3A_185 = arith.cmpi slt, %rem3A_181, %lt3A_184 : i32
      %lt3A_186 = arith.constant 0 : i32
      %lt3A_187 = arith.cmpi slt, %select_n3A_180, %lt3A_186 : i32
      %ne3A_188 = arith.xori %lt3A_185, %lt3A_187 : i1
      %and3A_189 = arith.andi %ne3A_188, %ne3A_183 : i1
      %add3A_190 = arith.addi %rem3A_181, %select_n3A_180 : i32
      %select_n3A_191 = arith.select %and3A_189, %add3A_190, %rem3A_181 : i32
      %mul3A_192 = arith.constant 8 : i32
      %mul3A_193 = arith.muli %select_n3A_191, %mul3A_192 : i32
      %multiple_of3A_194 = tpu.assume_multiple %mul3A_193, 8 : i32
      %lt3A_195 = arith.constant 12 : i32
      %lt3A_196 = arith.cmpi slt, %select_n3A_191, %lt3A_195 : i32
      %convert_element_type3A_197 = arith.extui %lt3A_196 : i1 to i32
      %cond3A_198 = arith.constant 0 : i32
      %cond3A_199 = arith.cmpi ne, %convert_element_type3A_197, %cond3A_198 : i32
      scf.if %cond3A_199 {
        %dma_start3A_258 = arith.constant 0 : i32
        %dma_start3A_259 = arith.constant 0 : i32
        %dma_start3A_260 = tpu.memref_slice %arg9[%dma_start3A_258, %dma_start3A_259] : memref<8x2048xf32, #tpu.memory_space<vmem>> -> memref<8x2048xf32, #tpu.memory_space<vmem>>
        %dma_start3A_261 = arith.constant 0 : i32
        %dma_start3A_262 = tpu.memref_slice %arg4[%select_n3A_175, %multiple_of3A_194, %dma_start3A_261] : memref<4x100x2048xf32, #tpu.memory_space<hbm>> -> memref<1x8x2048xf32, #tpu.memory_space<hbm>>
        %dma_start3A_263 = tpu.memref_squeeze %dma_start3A_262 : memref<1x8x2048xf32, #tpu.memory_space<hbm>> -> memref<8x2048xf32, #tpu.memory_space<hbm>>
        %dma_start3A_264 = arith.constant 0 : i32
        %dma_start3A_265 = tpu.memref_slice %arg4[%select_n3A_175, %multiple_of3A_194, %dma_start3A_264] : memref<4x100x2048xf32, #tpu.memory_space<hbm>> -> memref<1x8x2048xf32, #tpu.memory_space<hbm>>
        %dma_start3A_266 = tpu.memref_squeeze %dma_start3A_265 : memref<1x8x2048xf32, #tpu.memory_space<hbm>> -> memref<8x2048xf32, #tpu.memory_space<hbm>>
        %dma_start3A_267 = arith.constant 0 : i32
        %dma_start3A_268 = arith.constant 0 : i32
        %dma_start3A_269 = tpu.memref_slice %arg9[%dma_start3A_267, %dma_start3A_268] : memref<8x2048xf32, #tpu.memory_space<vmem>> -> memref<8x2048xf32, #tpu.memory_space<vmem>>
        tpu.enqueue_dma source(%dma_start3A_269 : memref<8x2048xf32, #tpu.memory_space<vmem>>) target(%dma_start3A_266 : memref<8x2048xf32, #tpu.memory_space<hbm>>) target_semaphore(%arg12 : memref<!tpu.dma_semaphore, #tpu.memory_space<semaphore_mem>>)
      } else {
      }
      %eq3A_200 = arith.constant 12 : i32
      %eq3A_201 = arith.cmpi eq, %select_n3A_191, %eq3A_200 : i32
      %convert_element_type3A_202 = arith.extui %eq3A_201 : i1 to i32
      %cond3A_203 = arith.constant 0 : i32
      %cond3A_204 = arith.cmpi ne, %convert_element_type3A_202, %cond3A_203 : i32
      scf.if %cond3A_204 {
        %dma_start3A_258 = arith.constant 0 : i32
        %dma_start3A_259 = arith.constant 0 : i32
        %dma_start3A_260 = tpu.memref_slice %arg9[%dma_start3A_258, %dma_start3A_259] : memref<8x2048xf32, #tpu.memory_space<vmem>> -> memref<4x2048xf32, #tpu.memory_space<vmem>>
        %dma_start3A_261 = arith.constant 0 : i32
        %dma_start3A_262 = tpu.memref_slice %arg4[%select_n3A_175, %multiple_of3A_194, %dma_start3A_261] : memref<4x100x2048xf32, #tpu.memory_space<hbm>> -> memref<1x4x2048xf32, #tpu.memory_space<hbm>>
        %dma_start3A_263 = tpu.memref_squeeze %dma_start3A_262 : memref<1x4x2048xf32, #tpu.memory_space<hbm>> -> memref<4x2048xf32, #tpu.memory_space<hbm>>
        %dma_start3A_264 = arith.constant 0 : i32
        %dma_start3A_265 = tpu.memref_slice %arg4[%select_n3A_175, %multiple_of3A_194, %dma_start3A_264] : memref<4x100x2048xf32, #tpu.memory_space<hbm>> -> memref<1x4x2048xf32, #tpu.memory_space<hbm>>
        %dma_start3A_266 = tpu.memref_squeeze %dma_start3A_265 : memref<1x4x2048xf32, #tpu.memory_space<hbm>> -> memref<4x2048xf32, #tpu.memory_space<hbm>>
        %dma_start3A_267 = arith.constant 0 : i32
        %dma_start3A_268 = arith.constant 0 : i32
        %dma_start3A_269 = tpu.memref_slice %arg9[%dma_start3A_267, %dma_start3A_268] : memref<8x2048xf32, #tpu.memory_space<vmem>> -> memref<4x2048xf32, #tpu.memory_space<vmem>>
        tpu.enqueue_dma source(%dma_start3A_269 : memref<4x2048xf32, #tpu.memory_space<vmem>>) target(%dma_start3A_266 : memref<4x2048xf32, #tpu.memory_space<hbm>>) target_semaphore(%arg12 : memref<!tpu.dma_semaphore, #tpu.memory_space<semaphore_mem>>)
      } else {
      }
      %jit3A_205 = arith.constant 13 : i32
      %div3A_206 = arith.divsi %add3A_2, %jit3A_205 : i32
      %sign3A_207 = arith.constant 0 : i32
      %sign3A_208 = arith.cmpi sgt, %add3A_2, %sign3A_207 : i32
      %sign3A_209 = arith.extui %sign3A_208 : i1 to i32
      %sign3A_210 = arith.constant 0 : i32
      %sign3A_211 = arith.cmpi slt, %add3A_2, %sign3A_210 : i32
      %sign3A_212 = arith.extui %sign3A_211 : i1 to i32
      %sign3A_213 = arith.subi %sign3A_209, %sign3A_212 : i32
      %sign3A_214 = arith.constant 0 : i32
      %sign3A_215 = arith.cmpi sgt, %jit3A_205, %sign3A_214 : i32
      %sign3A_216 = arith.extui %sign3A_215 : i1 to i32
      %sign3A_217 = arith.constant 0 : i32
      %sign3A_218 = arith.cmpi slt, %jit3A_205, %sign3A_217 : i32
      %sign3A_219 = arith.extui %sign3A_218 : i1 to i32
      %sign3A_220 = arith.subi %sign3A_216, %sign3A_219 : i32
      %ne3A_221 = arith.cmpi ne, %sign3A_213, %sign3A_220 : i32
      %rem3A_222 = arith.remsi %add3A_2, %jit3A_205 : i32
      %ne3A_223 = arith.constant 0 : i32
      %ne3A_224 = arith.cmpi ne, %rem3A_222, %ne3A_223 : i32
      %and3A_225 = arith.andi %ne3A_221, %ne3A_224 : i1
      %sub3A_226 = arith.constant 1 : i32
      %sub3A_227 = arith.subi %div3A_206, %sub3A_226 : i32
      %select_n3A_228 = arith.select %and3A_225, %sub3A_227, %div3A_206 : i32
      %jit3A_229 = arith.constant 13 : i32
      %eq3A_230 = arith.constant 0 : i32
      %eq3A_231 = arith.cmpi eq, %jit3A_229, %eq3A_230 : i32
      %jit3A_232 = arith.constant 1 : i32
      %select_n3A_233 = arith.select %eq3A_231, %jit3A_232, %jit3A_229 : i32
      %rem3A_234 = arith.remsi %add3A_2, %select_n3A_233 : i32
      %ne3A_235 = arith.constant 0 : i32
      %ne3A_236 = arith.cmpi ne, %rem3A_234, %ne3A_235 : i32
      %lt3A_237 = arith.constant 0 : i32
      %lt3A_238 = arith.cmpi slt, %rem3A_234, %lt3A_237 : i32
      %lt3A_239 = arith.constant 0 : i32
      %lt3A_240 = arith.cmpi slt, %select_n3A_233, %lt3A_239 : i32
      %ne3A_241 = arith.xori %lt3A_238, %lt3A_240 : i1
      %and3A_242 = arith.andi %ne3A_241, %ne3A_236 : i1
      %add3A_243 = arith.addi %rem3A_234, %select_n3A_233 : i32
      %select_n3A_244 = arith.select %and3A_242, %add3A_243, %rem3A_234 : i32
      %mul3A_245 = arith.constant 8 : i32
      %mul3A_246 = arith.muli %select_n3A_244, %mul3A_245 : i32
      %multiple_of3A_247 = tpu.assume_multiple %mul3A_246, 8 : i32
      %lt3A_248 = arith.constant 12 : i32
      %lt3A_249 = arith.cmpi slt, %select_n3A_244, %lt3A_248 : i32
      %convert_element_type3A_250 = arith.extui %lt3A_249 : i1 to i32
      %cond3A_251 = arith.constant 0 : i32
      %cond3A_252 = arith.cmpi ne, %convert_element_type3A_250, %cond3A_251 : i32
      scf.if %cond3A_252 {
        %dma_wait3A_258 = arith.constant 0 : i32
        %dma_wait3A_259 = arith.constant 0 : i32
        %dma_wait3A_260 = tpu.memref_slice %arg9[%dma_wait3A_258, %dma_wait3A_259] : memref<8x2048xf32, #tpu.memory_space<vmem>> -> memref<8x2048xf32, #tpu.memory_space<vmem>>
        %dma_wait3A_261 = arith.constant 0 : i32
        %dma_wait3A_262 = tpu.memref_slice %arg4[%select_n3A_228, %multiple_of3A_247, %dma_wait3A_261] : memref<4x100x2048xf32, #tpu.memory_space<hbm>> -> memref<1x8x2048xf32, #tpu.memory_space<hbm>>
        %dma_wait3A_263 = tpu.memref_squeeze %dma_wait3A_262 : memref<1x8x2048xf32, #tpu.memory_space<hbm>> -> memref<8x2048xf32, #tpu.memory_space<hbm>>
        %dma_wait3A_264 = arith.constant 0 : i32
        %dma_wait3A_265 = tpu.memref_slice %arg4[%select_n3A_228, %multiple_of3A_247, %dma_wait3A_264] : memref<4x100x2048xf32, #tpu.memory_space<hbm>> -> memref<1x8x2048xf32, #tpu.memory_space<hbm>>
        %dma_wait3A_266 = tpu.memref_squeeze %dma_wait3A_265 : memref<1x8x2048xf32, #tpu.memory_space<hbm>> -> memref<8x2048xf32, #tpu.memory_space<hbm>>
        %dma_wait3A_267 = arith.constant 0 : i32
        %dma_wait3A_268 = arith.constant 0 : i32
        %dma_wait3A_269 = tpu.memref_slice %arg9[%dma_wait3A_267, %dma_wait3A_268] : memref<8x2048xf32, #tpu.memory_space<vmem>> -> memref<8x2048xf32, #tpu.memory_space<vmem>>
        tpu.wait_dma2 semaphore(%arg12 : memref<!tpu.dma_semaphore, #tpu.memory_space<semaphore_mem>>) src(%dma_wait3A_269 : memref<8x2048xf32, #tpu.memory_space<vmem>>) dst(%dma_wait3A_266 : memref<8x2048xf32, #tpu.memory_space<hbm>>)
      } else {
      }
      %eq3A_253 = arith.constant 12 : i32
      %eq3A_254 = arith.cmpi eq, %select_n3A_244, %eq3A_253 : i32
      %convert_element_type3A_255 = arith.extui %eq3A_254 : i1 to i32
      %cond3A_256 = arith.constant 0 : i32
      %cond3A_257 = arith.cmpi ne, %convert_element_type3A_255, %cond3A_256 : i32
      scf.if %cond3A_257 {
        %dma_wait3A_258 = arith.constant 0 : i32
        %dma_wait3A_259 = arith.constant 0 : i32
        %dma_wait3A_260 = tpu.memref_slice %arg9[%dma_wait3A_258, %dma_wait3A_259] : memref<8x2048xf32, #tpu.memory_space<vmem>> -> memref<4x2048xf32, #tpu.memory_space<vmem>>
        %dma_wait3A_261 = arith.constant 0 : i32
        %dma_wait3A_262 = tpu.memref_slice %arg4[%select_n3A_228, %multiple_of3A_247, %dma_wait3A_261] : memref<4x100x2048xf32, #tpu.memory_space<hbm>> -> memref<1x4x2048xf32, #tpu.memory_space<hbm>>
        %dma_wait3A_263 = tpu.memref_squeeze %dma_wait3A_262 : memref<1x4x2048xf32, #tpu.memory_space<hbm>> -> memref<4x2048xf32, #tpu.memory_space<hbm>>
        %dma_wait3A_264 = arith.constant 0 : i32
        %dma_wait3A_265 = tpu.memref_slice %arg4[%select_n3A_228, %multiple_of3A_247, %dma_wait3A_264] : memref<4x100x2048xf32, #tpu.memory_space<hbm>> -> memref<1x4x2048xf32, #tpu.memory_space<hbm>>
        %dma_wait3A_266 = tpu.memref_squeeze %dma_wait3A_265 : memref<1x4x2048xf32, #tpu.memory_space<hbm>> -> memref<4x2048xf32, #tpu.memory_space<hbm>>
        %dma_wait3A_267 = arith.constant 0 : i32
        %dma_wait3A_268 = arith.constant 0 : i32
        %dma_wait3A_269 = tpu.memref_slice %arg9[%dma_wait3A_267, %dma_wait3A_268] : memref<8x2048xf32, #tpu.memory_space<vmem>> -> memref<4x2048xf32, #tpu.memory_space<vmem>>
        tpu.wait_dma2 semaphore(%arg12 : memref<!tpu.dma_semaphore, #tpu.memory_space<semaphore_mem>>) src(%dma_wait3A_269 : memref<4x2048xf32, #tpu.memory_space<vmem>>) dst(%dma_wait3A_266 : memref<4x2048xf32, #tpu.memory_space<hbm>>)
      } else {
      }
    } else {
    }
    %jit3A_77 = arith.constant 13 : i32
    %div3A_78 = arith.divsi %add3A, %jit3A_77 : i32
    %sign3A_79 = arith.constant 0 : i32
    %sign3A_80 = arith.cmpi sgt, %add3A, %sign3A_79 : i32
    %sign3A_81 = arith.extui %sign3A_80 : i1 to i32
    %sign3A_82 = arith.constant 0 : i32
    %sign3A_83 = arith.cmpi slt, %add3A, %sign3A_82 : i32
    %sign3A_84 = arith.extui %sign3A_83 : i1 to i32
    %sign3A_85 = arith.subi %sign3A_81, %sign3A_84 : i32
    %sign3A_86 = arith.constant 0 : i32
    %sign3A_87 = arith.cmpi sgt, %jit3A_77, %sign3A_86 : i32
    %sign3A_88 = arith.extui %sign3A_87 : i1 to i32
    %sign3A_89 = arith.constant 0 : i32
    %sign3A_90 = arith.cmpi slt, %jit3A_77, %sign3A_89 : i32
    %sign3A_91 = arith.extui %sign3A_90 : i1 to i32
    %sign3A_92 = arith.subi %sign3A_88, %sign3A_91 : i32
    %ne3A_93 = arith.cmpi ne, %sign3A_85, %sign3A_92 : i32
    %rem3A_94 = arith.remsi %add3A, %jit3A_77 : i32
    %ne3A_95 = arith.constant 0 : i32
    %ne3A_96 = arith.cmpi ne, %rem3A_94, %ne3A_95 : i32
    %and3A_97 = arith.andi %ne3A_93, %ne3A_96 : i1
    %sub3A_98 = arith.constant 1 : i32
    %sub3A_99 = arith.subi %div3A_78, %sub3A_98 : i32
    %select_n3A_100 = arith.select %and3A_97, %sub3A_99, %div3A_78 : i32
    %jit3A_101 = arith.constant 13 : i32
    %eq3A_102 = arith.constant 0 : i32
    %eq3A_103 = arith.cmpi eq, %jit3A_101, %eq3A_102 : i32
    %jit3A_104 = arith.constant 1 : i32
    %select_n3A_105 = arith.select %eq3A_103, %jit3A_104, %jit3A_101 : i32
    %rem3A_106 = arith.remsi %add3A, %select_n3A_105 : i32
    %ne3A_107 = arith.constant 0 : i32
    %ne3A_108 = arith.cmpi ne, %rem3A_106, %ne3A_107 : i32
    %lt3A_109 = arith.constant 0 : i32
    %lt3A_110 = arith.cmpi slt, %rem3A_106, %lt3A_109 : i32
    %lt3A_111 = arith.constant 0 : i32
    %lt3A_112 = arith.cmpi slt, %select_n3A_105, %lt3A_111 : i32
    %ne3A_113 = arith.xori %lt3A_110, %lt3A_112 : i1
    %and3A_114 = arith.andi %ne3A_113, %ne3A_108 : i1
    %add3A_115 = arith.addi %rem3A_106, %select_n3A_105 : i32
    %select_n3A_116 = arith.select %and3A_114, %add3A_115, %rem3A_106 : i32
    %mul3A_117 = arith.constant 8 : i32
    %mul3A_118 = arith.muli %select_n3A_116, %mul3A_117 : i32
    %multiple_of3A_119 = tpu.assume_multiple %mul3A_118, 8 : i32
    %lt3A_120 = arith.constant 12 : i32
    %lt3A_121 = arith.cmpi slt, %select_n3A_116, %lt3A_120 : i32
    %convert_element_type3A_122 = arith.extui %lt3A_121 : i1 to i32
    %cond3A_123 = arith.constant 0 : i32
    %cond3A_124 = arith.cmpi ne, %convert_element_type3A_122, %cond3A_123 : i32
    scf.if %cond3A_124 {
      %dma_wait3A_130 = arith.constant 0 : i32
      %dma_wait3A_131 = arith.constant 0 : i32
      %dma_wait3A_132 = tpu.memref_slice %arg8[%dma_wait3A_130, %dma_wait3A_131] : memref<8x2048xf32, #tpu.memory_space<vmem>> -> memref<8x2048xf32, #tpu.memory_space<vmem>>
      %dma_wait3A_133 = arith.constant 0 : i32
      %dma_wait3A_134 = tpu.memref_slice %arg4[%select_n3A_100, %multiple_of3A_119, %dma_wait3A_133] : memref<4x100x2048xf32, #tpu.memory_space<hbm>> -> memref<1x8x2048xf32, #tpu.memory_space<hbm>>
      %dma_wait3A_135 = tpu.memref_squeeze %dma_wait3A_134 : memref<1x8x2048xf32, #tpu.memory_space<hbm>> -> memref<8x2048xf32, #tpu.memory_space<hbm>>
      %dma_wait3A_136 = arith.constant 0 : i32
      %dma_wait3A_137 = tpu.memref_slice %arg4[%select_n3A_100, %multiple_of3A_119, %dma_wait3A_136] : memref<4x100x2048xf32, #tpu.memory_space<hbm>> -> memref<1x8x2048xf32, #tpu.memory_space<hbm>>
      %dma_wait3A_138 = tpu.memref_squeeze %dma_wait3A_137 : memref<1x8x2048xf32, #tpu.memory_space<hbm>> -> memref<8x2048xf32, #tpu.memory_space<hbm>>
      %dma_wait3A_139 = arith.constant 0 : i32
      %dma_wait3A_140 = arith.constant 0 : i32
      %dma_wait3A_141 = tpu.memref_slice %arg8[%dma_wait3A_139, %dma_wait3A_140] : memref<8x2048xf32, #tpu.memory_space<vmem>> -> memref<8x2048xf32, #tpu.memory_space<vmem>>
      tpu.wait_dma2 semaphore(%arg12 : memref<!tpu.dma_semaphore, #tpu.memory_space<semaphore_mem>>) src(%dma_wait3A_141 : memref<8x2048xf32, #tpu.memory_space<vmem>>) dst(%dma_wait3A_138 : memref<8x2048xf32, #tpu.memory_space<hbm>>)
    } else {
    }
    %eq3A_125 = arith.constant 12 : i32
    %eq3A_126 = arith.cmpi eq, %select_n3A_116, %eq3A_125 : i32
    %convert_element_type3A_127 = arith.extui %eq3A_126 : i1 to i32
    %cond3A_128 = arith.constant 0 : i32
    %cond3A_129 = arith.cmpi ne, %convert_element_type3A_127, %cond3A_128 : i32
    scf.if %cond3A_129 {
      %dma_wait3A_130 = arith.constant 0 : i32
      %dma_wait3A_131 = arith.constant 0 : i32
      %dma_wait3A_132 = tpu.memref_slice %arg8[%dma_wait3A_130, %dma_wait3A_131] : memref<8x2048xf32, #tpu.memory_space<vmem>> -> memref<4x2048xf32, #tpu.memory_space<vmem>>
      %dma_wait3A_133 = arith.constant 0 : i32
      %dma_wait3A_134 = tpu.memref_slice %arg4[%select_n3A_100, %multiple_of3A_119, %dma_wait3A_133] : memref<4x100x2048xf32, #tpu.memory_space<hbm>> -> memref<1x4x2048xf32, #tpu.memory_space<hbm>>
      %dma_wait3A_135 = tpu.memref_squeeze %dma_wait3A_134 : memref<1x4x2048xf32, #tpu.memory_space<hbm>> -> memref<4x2048xf32, #tpu.memory_space<hbm>>
      %dma_wait3A_136 = arith.constant 0 : i32
      %dma_wait3A_137 = tpu.memref_slice %arg4[%select_n3A_100, %multiple_of3A_119, %dma_wait3A_136] : memref<4x100x2048xf32, #tpu.memory_space<hbm>> -> memref<1x4x2048xf32, #tpu.memory_space<hbm>>
      %dma_wait3A_138 = tpu.memref_squeeze %dma_wait3A_137 : memref<1x4x2048xf32, #tpu.memory_space<hbm>> -> memref<4x2048xf32, #tpu.memory_space<hbm>>
      %dma_wait3A_139 = arith.constant 0 : i32
      %dma_wait3A_140 = arith.constant 0 : i32
      %dma_wait3A_141 = tpu.memref_slice %arg8[%dma_wait3A_139, %dma_wait3A_140] : memref<8x2048xf32, #tpu.memory_space<vmem>> -> memref<4x2048xf32, #tpu.memory_space<vmem>>
      tpu.wait_dma2 semaphore(%arg12 : memref<!tpu.dma_semaphore, #tpu.memory_space<semaphore_mem>>) src(%dma_wait3A_141 : memref<4x2048xf32, #tpu.memory_space<vmem>>) dst(%dma_wait3A_138 : memref<4x2048xf32, #tpu.memory_space<hbm>>)
    } else {
    }
    return
  }
}

module attributes {stable_mosaic.version = 14 : i64} {
  func.func @_route_body(%arg0: i32, %arg1: memref<4x256x2048xf32, #tpu.memory_space<vmem>>, %arg2: memref<4x256xi32, #tpu.memory_space<vmem>>, %arg3: memref<16x2048xf32, #tpu.memory_space<vmem>>, %arg4: memref<128x16xi32, #tpu.memory_space<vmem>>, %arg5: memref<4x2048xf32, #tpu.memory_space<vmem>>, %arg6: memref<4x128xf32, #tpu.memory_space<vmem>>) attributes {dimension_semantics = [#tpu.dimension_semantics<arbitrary>], iteration_bounds = array<i64: 8>, scalar_prefetch = 0 : i64, scratch_operands = 2 : i64, tpu.core_type = #tpu.core_type<tc>, window_params = [{transform_indices = @transform_0, window_bounds = array<i64: 4, 256, 2048>}, {transform_indices = @transform_1, window_bounds = array<i64: 4, 256>}, {pipeline_mode = #tpu.pipeline_mode<synchronous>, transform_indices = @transform_2, window_bounds = array<i64: 16, 2048>}, {pipeline_mode = #tpu.pipeline_mode<synchronous>, transform_indices = @transform_3, window_bounds = array<i64: 128, 16>}]} {
    %get3A = arith.constant 0 : index
    %get3A_0 = arith.constant 0 : index
    %get3A_1 = arith.constant 0 : index
    %get3A_2 = vector.load %arg1[%get3A, %get3A_0, %get3A_1] : memref<4x256x2048xf32, #tpu.memory_space<vmem>>, vector<4x256x2048xf32>
    %get3A_3 = arith.constant 0 : index
    %get3A_4 = arith.constant 0 : index
    %get3A_5 = vector.load %arg2[%get3A_3, %get3A_4] : memref<4x256xi32, #tpu.memory_space<vmem>>, vector<4x256xi32>
    %convert_element_type3A = arith.sitofp %get3A_5 : vector<4x256xi32> to vector<4x256xf32>
    %broadcast_in_dim3A = vector.shape_cast %convert_element_type3A : vector<4x256xf32> to vector<4x256x1xf32>
    %mul3A = vector.broadcast %broadcast_in_dim3A : vector<4x256x1xf32> to vector<4x256x2048xf32>
    %mul3A_6 = arith.mulf %get3A_2, %mul3A : vector<4x256x2048xf32>
    %reduce_sum3A = arith.constant dense<0.000000e+00> : vector<4x2048xf32>
    %reduce_sum3A_7 = vector.multi_reduction <add>, %mul3A_6, %reduce_sum3A [1] : vector<4x256x2048xf32> to vector<4x2048xf32>
    %reduce_sum3A_8 = arith.constant dense<0.000000e+00> : vector<4xf32>
    %reduce_sum3A_9 = vector.multi_reduction <add>, %convert_element_type3A, %reduce_sum3A_8 [1] : vector<4x256xf32> to vector<4xf32>
    %broadcast_in_dim3A_10 = vector.shape_cast %reduce_sum3A_9 : vector<4xf32> to vector<4x1xf32>
    %eq3A = arith.constant 0 : i32
    %eq3A_11 = arith.cmpi eq, %arg0, %eq3A : i32
    %convert_element_type3A_12 = arith.extui %eq3A_11 : i1 to i32
    %cond3A = arith.constant 0 : i32
    %cond3A_13 = arith.cmpi ne, %convert_element_type3A_12, %cond3A : i32
    scf.if %cond3A_13 {
      %swap3A = arith.constant 0 : index
      %swap3A_23 = arith.constant 0 : index
      %swap3A_24 = vector.load %arg5[%swap3A, %swap3A_23] : memref<4x2048xf32, #tpu.memory_space<vmem>>, vector<4x2048xf32>
      tpu.vector_store %arg5[%swap3A, %swap3A_23], %reduce_sum3A_7 {strides = array<i32>} : memref<4x2048xf32, #tpu.memory_space<vmem>>, vector<4x2048xf32>,
      %broadcast_in_dim3A_25 = vector.shape_cast %broadcast_in_dim3A_10 : vector<4x1xf32> to vector<4x1xf32>
      %broadcast_in_dim3A_26 = vector.broadcast %broadcast_in_dim3A_25 : vector<4x1xf32> to vector<4x128xf32>
      %swap3A_27 = arith.constant 0 : index
      %swap3A_28 = arith.constant 0 : index
      %swap3A_29 = vector.load %arg6[%swap3A_27, %swap3A_28] : memref<4x128xf32, #tpu.memory_space<vmem>>, vector<4x128xf32>
      tpu.vector_store %arg6[%swap3A_27, %swap3A_28], %broadcast_in_dim3A_26 {strides = array<i32>} : memref<4x128xf32, #tpu.memory_space<vmem>>, vector<4x128xf32>,
    } else {
    }
    %gt3A = arith.constant 0 : i32
    %gt3A_14 = arith.cmpi sgt, %arg0, %gt3A : i32
    %convert_element_type3A_15 = arith.extui %gt3A_14 : i1 to i32
    %cond3A_16 = arith.constant 0 : i32
    %cond3A_17 = arith.cmpi ne, %convert_element_type3A_15, %cond3A_16 : i32
    scf.if %cond3A_17 {
      %get3A_23 = arith.constant 0 : index
      %get3A_24 = arith.constant 0 : index
      %get3A_25 = vector.load %arg5[%get3A_23, %get3A_24] : memref<4x2048xf32, #tpu.memory_space<vmem>>, vector<4x2048xf32>
      %add3A = arith.addf %get3A_25, %reduce_sum3A_7 : vector<4x2048xf32>
      %swap3A = arith.constant 0 : index
      %swap3A_26 = arith.constant 0 : index
      %swap3A_27 = vector.load %arg5[%swap3A, %swap3A_26] : memref<4x2048xf32, #tpu.memory_space<vmem>>, vector<4x2048xf32>
      tpu.vector_store %arg5[%swap3A, %swap3A_26], %add3A {strides = array<i32>} : memref<4x2048xf32, #tpu.memory_space<vmem>>, vector<4x2048xf32>,
      %get3A_28 = arith.constant 0 : index
      %get3A_29 = arith.constant 0 : index
      %get3A_30 = vector.load %arg6[%get3A_28, %get3A_29] : memref<4x128xf32, #tpu.memory_space<vmem>>, vector<4x128xf32>
      %add3A_31 = vector.broadcast %broadcast_in_dim3A_10 : vector<4x1xf32> to vector<4x128xf32>
      %add3A_32 = arith.addf %get3A_30, %add3A_31 : vector<4x128xf32>
      %swap3A_33 = arith.constant 0 : index
      %swap3A_34 = arith.constant 0 : index
      %swap3A_35 = vector.load %arg6[%swap3A_33, %swap3A_34] : memref<4x128xf32, #tpu.memory_space<vmem>>, vector<4x128xf32>
      tpu.vector_store %arg6[%swap3A_33, %swap3A_34], %add3A_32 {strides = array<i32>} : memref<4x128xf32, #tpu.memory_space<vmem>>, vector<4x128xf32>,
    } else {
    }
    %eq3A_18 = arith.constant 7 : i32
    %eq3A_19 = arith.cmpi eq, %arg0, %eq3A_18 : i32
    %convert_element_type3A_20 = arith.extui %eq3A_19 : i1 to i32
    %cond3A_21 = arith.constant 0 : i32
    %cond3A_22 = arith.cmpi ne, %convert_element_type3A_20, %cond3A_21 : i32
    scf.if %cond3A_22 {
      %get3A_23 = arith.constant 0 : index
      %get3A_24 = arith.constant 0 : index
      %get3A_25 = vector.load %arg6[%get3A_23, %get3A_24] : memref<4x128xf32, #tpu.memory_space<vmem>>, vector<4x1xf32>
      %max3A = arith.constant 1.000000e+00 : f32
      %max3A_26 = vector.broadcast %max3A : f32 to vector<4x1xf32>
      %max3A_27 = arith.maximumf %get3A_25, %max3A_26 : vector<4x1xf32>
      %get3A_28 = arith.constant 0 : index
      %get3A_29 = arith.constant 0 : index
      %get3A_30 = vector.load %arg5[%get3A_28, %get3A_29] : memref<4x2048xf32, #tpu.memory_space<vmem>>, vector<4x2048xf32>
      %div3A = vector.broadcast %max3A_27 : vector<4x1xf32> to vector<4x2048xf32>
      %div3A_31 = arith.divf %get3A_30, %div3A : vector<4x2048xf32>
      %get3A_32 = arith.constant 0 : index
      %get3A_33 = arith.constant 0 : index
      %get3A_34 = vector.load %arg3[%get3A_32, %get3A_33] : memref<16x2048xf32, #tpu.memory_space<vmem>>, vector<16x2048xf32>
      %dot_general3A = arith.constant dense<0.000000e+00> : vector<4x16xf32>
      %dot_general3A_35 = tpu.matmul %div3A_31, %get3A_34, %dot_general3A {dimension_numbers = #tpu.dot_dimension_numbers<[1], [1], [0], [0], [0, 0, 1, 0], [], []>, precision = #tpu.contract_precision<fp32>, transpose_lhs_hint = false} : vector<4x2048xf32>, vector<16x2048xf32>, vector<4x16xf32> -> vector<4x16xf32>
      %reduce_max3A = arith.constant dense<0xFF800000> : vector<4xf32>
      %reduce_max3A_36 = vector.multi_reduction <maximumf>, %dot_general3A_35, %reduce_max3A [1] : vector<4x16xf32> to vector<4xf32>
      %broadcast_in_dim3A_37 = vector.shape_cast %reduce_max3A_36 : vector<4xf32> to vector<4x1xf32>
      %sub3A = vector.broadcast %broadcast_in_dim3A_37 : vector<4x1xf32> to vector<4x16xf32>
      %sub3A_38 = arith.subf %dot_general3A_35, %sub3A : vector<4x16xf32>
      %exp3A = math.exp %sub3A_38 : vector<4x16xf32>
      %reduce_sum3A_39 = arith.constant dense<0.000000e+00> : vector<4xf32>
      %reduce_sum3A_40 = vector.multi_reduction <add>, %exp3A, %reduce_sum3A_39 [1] : vector<4x16xf32> to vector<4xf32>
      %broadcast_in_dim3A_41 = vector.shape_cast %reduce_sum3A_40 : vector<4xf32> to vector<4x1xf32>
      %div3A_42 = vector.broadcast %broadcast_in_dim3A_41 : vector<4x1xf32> to vector<4x16xf32>
      %div3A_43 = arith.divf %exp3A, %div3A_42 : vector<4x16xf32>
      %iota3A = tpu.iota {dimensions = array<i32: 1>} : vector<4x16xi32>
      %reduce_max3A_44 = arith.constant dense<0xFF800000> : vector<4xf32>
      %reduce_max3A_45 = vector.multi_reduction <maximumf>, %div3A_43, %reduce_max3A_44 [1] : vector<4x16xf32> to vector<4xf32>
      %broadcast_in_dim3A_46 = vector.shape_cast %reduce_max3A_45 : vector<4xf32> to vector<4x1xf32>
      %eq3A_47 = vector.broadcast %broadcast_in_dim3A_46 : vector<4x1xf32> to vector<4x16xf32>
      %eq3A_48 = arith.cmpf oeq, %div3A_43, %eq3A_47 : vector<4x16xf32>
      %jit3A = arith.constant 16 : i32
      %broadcast_in_dim3A_49 = vector.broadcast %jit3A : i32 to vector<4x16xi32>
      %select_n3A = arith.select %eq3A_48, %iota3A, %broadcast_in_dim3A_49 : vector<4x16xi1>, vector<4x16xi32>
      %reduce_min3A = arith.constant dense<2147483647> : vector<4xi32>
      %reduce_min3A_50 = vector.multi_reduction <minsi>, %select_n3A, %reduce_min3A [1] : vector<4x16xi32> to vector<4xi32>
      %broadcast_in_dim3A_51 = vector.shape_cast %reduce_min3A_50 : vector<4xi32> to vector<4x1xi32>
      %eq3A_52 = vector.broadcast %broadcast_in_dim3A_51 : vector<4x1xi32> to vector<4x16xi32>
      %eq3A_53 = arith.cmpi eq, %iota3A, %eq3A_52 : vector<4x16xi32>
      %jit3A_54 = arith.constant -1.000000e+00 : f32
      %broadcast_in_dim3A_55 = vector.broadcast %jit3A_54 : f32 to vector<4x16xf32>
      %select_n3A_56 = arith.select %eq3A_53, %broadcast_in_dim3A_55, %div3A_43 : vector<4x16xi1>, vector<4x16xf32>
      %reduce_max3A_57 = arith.constant dense<0xFF800000> : vector<4xf32>
      %reduce_max3A_58 = vector.multi_reduction <maximumf>, %select_n3A_56, %reduce_max3A_57 [1] : vector<4x16xf32> to vector<4xf32>
      %broadcast_in_dim3A_59 = vector.shape_cast %reduce_max3A_58 : vector<4xf32> to vector<4x1xf32>
      %eq3A_60 = vector.broadcast %broadcast_in_dim3A_59 : vector<4x1xf32> to vector<4x16xf32>
      %eq3A_61 = arith.cmpf oeq, %select_n3A_56, %eq3A_60 : vector<4x16xf32>
      %jit3A_62 = arith.constant 16 : i32
      %broadcast_in_dim3A_63 = vector.broadcast %jit3A_62 : i32 to vector<4x16xi32>
      %select_n3A_64 = arith.select %eq3A_61, %iota3A, %broadcast_in_dim3A_63 : vector<4x16xi1>, vector<4x16xi32>
      %reduce_min3A_65 = arith.constant dense<2147483647> : vector<4xi32>
      %reduce_min3A_66 = vector.multi_reduction <minsi>, %select_n3A_64, %reduce_min3A_65 [1] : vector<4x16xi32> to vector<4xi32>
      %broadcast_in_dim3A_67 = vector.shape_cast %reduce_min3A_66 : vector<4xi32> to vector<4x1xi32>
      %iota3A_68 = tpu.iota {dimensions = array<i32: 0>} : vector<64x16xi32>
      %iota3A_69 = tpu.iota {dimensions = array<i32: 1>} : vector<64x16xi32>
      %jit3A_70 = arith.constant 13 : i32
      %div3A_71 = vector.broadcast %jit3A_70 : i32 to vector<64x16xi32>
      %div3A_72 = arith.divsi %iota3A_68, %div3A_71 : vector<64x16xi32>
      %sign3A = arith.constant 0 : i32
      %sign3A_73 = vector.broadcast %sign3A : i32 to vector<64x16xi32>
      %sign3A_74 = arith.cmpi sgt, %iota3A_68, %sign3A_73 : vector<64x16xi32>
      %sign3A_75 = arith.extui %sign3A_74 : vector<64x16xi1> to vector<64x16xi32>
      %sign3A_76 = arith.constant 0 : i32
      %sign3A_77 = vector.broadcast %sign3A_76 : i32 to vector<64x16xi32>
      %sign3A_78 = arith.cmpi slt, %iota3A_68, %sign3A_77 : vector<64x16xi32>
      %sign3A_79 = arith.extui %sign3A_78 : vector<64x16xi1> to vector<64x16xi32>
      %sign3A_80 = arith.subi %sign3A_75, %sign3A_79 : vector<64x16xi32>
      %sign3A_81 = arith.constant 0 : i32
      %sign3A_82 = arith.cmpi sgt, %jit3A_70, %sign3A_81 : i32
      %sign3A_83 = arith.extui %sign3A_82 : i1 to i32
      %sign3A_84 = arith.constant 0 : i32
      %sign3A_85 = arith.cmpi slt, %jit3A_70, %sign3A_84 : i32
      %sign3A_86 = arith.extui %sign3A_85 : i1 to i32
      %sign3A_87 = arith.subi %sign3A_83, %sign3A_86 : i32
      %ne3A = vector.broadcast %sign3A_87 : i32 to vector<64x16xi32>
      %ne3A_88 = arith.cmpi ne, %sign3A_80, %ne3A : vector<64x16xi32>
      %rem3A = vector.broadcast %jit3A_70 : i32 to vector<64x16xi32>
      %rem3A_89 = arith.remsi %iota3A_68, %rem3A : vector<64x16xi32>
      %ne3A_90 = arith.constant 0 : i32
      %ne3A_91 = vector.broadcast %ne3A_90 : i32 to vector<64x16xi32>
      %ne3A_92 = arith.cmpi ne, %rem3A_89, %ne3A_91 : vector<64x16xi32>
      %and3A = arith.andi %ne3A_88, %ne3A_92 : vector<64x16xi1>
      %sub3A_93 = arith.constant 1 : i32
      %sub3A_94 = vector.broadcast %sub3A_93 : i32 to vector<64x16xi32>
      %sub3A_95 = arith.subi %div3A_72, %sub3A_94 : vector<64x16xi32>
      %select_n3A_96 = arith.select %and3A, %sub3A_95, %div3A_72 : vector<64x16xi1>, vector<64x16xi32>
      %min3A = arith.constant 3 : i32
      %min3A_97 = vector.broadcast %min3A : i32 to vector<64x16xi32>
      %min3A_98 = arith.minsi %select_n3A_96, %min3A_97 : vector<64x16xi32>
      %jit3A_99 = arith.constant 13 : i32
      %eq3A_100 = arith.constant 0 : i32
      %eq3A_101 = arith.cmpi eq, %jit3A_99, %eq3A_100 : i32
      %jit3A_102 = arith.constant 1 : i32
      %select_n3A_103 = arith.select %eq3A_101, %jit3A_102, %jit3A_99 : i32
      %rem3A_104 = vector.broadcast %select_n3A_103 : i32 to vector<64x16xi32>
      %rem3A_105 = arith.remsi %iota3A_68, %rem3A_104 : vector<64x16xi32>
      %ne3A_106 = arith.constant 0 : i32
      %ne3A_107 = vector.broadcast %ne3A_106 : i32 to vector<64x16xi32>
      %ne3A_108 = arith.cmpi ne, %rem3A_105, %ne3A_107 : vector<64x16xi32>
      %lt3A = arith.constant 0 : i32
      %lt3A_109 = vector.broadcast %lt3A : i32 to vector<64x16xi32>
      %lt3A_110 = arith.cmpi slt, %rem3A_105, %lt3A_109 : vector<64x16xi32>
      %lt3A_111 = arith.constant 0 : i32
      %lt3A_112 = arith.cmpi slt, %select_n3A_103, %lt3A_111 : i32
      %ne3A_113 = vector.broadcast %lt3A_112 : i1 to vector<64x16xi1>
      %ne3A_114 = vector.broadcast %ne3A_113 : vector<64x16xi1> to vector<64x16xi1>
      %ne3A_115 = arith.xori %lt3A_110, %ne3A_114 : vector<64x16xi1>
      %and3A_116 = arith.andi %ne3A_115, %ne3A_108 : vector<64x16xi1>
      %add3A = vector.broadcast %select_n3A_103 : i32 to vector<64x16xi32>
      %add3A_117 = arith.addi %rem3A_105, %add3A : vector<64x16xi32>
      %select_n3A_118 = arith.select %and3A_116, %add3A_117, %rem3A_105 : vector<64x16xi1>, vector<64x16xi32>
      %mul3A_119 = arith.constant 8 : i32
      %mul3A_120 = vector.broadcast %mul3A_119 : i32 to vector<64x16xi32>
      %mul3A_121 = arith.muli %select_n3A_118, %mul3A_120 : vector<64x16xi32>
      %jit3A_122 = arith.constant 2 : i32
      %div3A_123 = vector.broadcast %jit3A_122 : i32 to vector<64x16xi32>
      %div3A_124 = arith.divsi %iota3A_69, %div3A_123 : vector<64x16xi32>
      %sign3A_125 = arith.constant 0 : i32
      %sign3A_126 = vector.broadcast %sign3A_125 : i32 to vector<64x16xi32>
      %sign3A_127 = arith.cmpi sgt, %iota3A_69, %sign3A_126 : vector<64x16xi32>
      %sign3A_128 = arith.extui %sign3A_127 : vector<64x16xi1> to vector<64x16xi32>
      %sign3A_129 = arith.constant 0 : i32
      %sign3A_130 = vector.broadcast %sign3A_129 : i32 to vector<64x16xi32>
      %sign3A_131 = arith.cmpi slt, %iota3A_69, %sign3A_130 : vector<64x16xi32>
      %sign3A_132 = arith.extui %sign3A_131 : vector<64x16xi1> to vector<64x16xi32>
      %sign3A_133 = arith.subi %sign3A_128, %sign3A_132 : vector<64x16xi32>
      %sign3A_134 = arith.constant 0 : i32
      %sign3A_135 = arith.cmpi sgt, %jit3A_122, %sign3A_134 : i32
      %sign3A_136 = arith.extui %sign3A_135 : i1 to i32
      %sign3A_137 = arith.constant 0 : i32
      %sign3A_138 = arith.cmpi slt, %jit3A_122, %sign3A_137 : i32
      %sign3A_139 = arith.extui %sign3A_138 : i1 to i32
      %sign3A_140 = arith.subi %sign3A_136, %sign3A_139 : i32
      %ne3A_141 = vector.broadcast %sign3A_140 : i32 to vector<64x16xi32>
      %ne3A_142 = arith.cmpi ne, %sign3A_133, %ne3A_141 : vector<64x16xi32>
      %rem3A_143 = vector.broadcast %jit3A_122 : i32 to vector<64x16xi32>
      %rem3A_144 = arith.remsi %iota3A_69, %rem3A_143 : vector<64x16xi32>
      %ne3A_145 = arith.constant 0 : i32
      %ne3A_146 = vector.broadcast %ne3A_145 : i32 to vector<64x16xi32>
      %ne3A_147 = arith.cmpi ne, %rem3A_144, %ne3A_146 : vector<64x16xi32>
      %and3A_148 = arith.andi %ne3A_142, %ne3A_147 : vector<64x16xi1>
      %sub3A_149 = arith.constant 1 : i32
      %sub3A_150 = vector.broadcast %sub3A_149 : i32 to vector<64x16xi32>
      %sub3A_151 = arith.subi %div3A_124, %sub3A_150 : vector<64x16xi32>
      %select_n3A_152 = arith.select %and3A_148, %sub3A_151, %div3A_124 : vector<64x16xi1>, vector<64x16xi32>
      %add3A_153 = arith.addi %mul3A_121, %select_n3A_152 : vector<64x16xi32>
      %min3A_154 = arith.constant 99 : i32
      %min3A_155 = vector.broadcast %min3A_154 : i32 to vector<64x16xi32>
      %min3A_156 = arith.minsi %add3A_153, %min3A_155 : vector<64x16xi32>
      %jit3A_157 = arith.constant 2 : i32
      %eq3A_158 = arith.constant 0 : i32
      %eq3A_159 = arith.cmpi eq, %jit3A_157, %eq3A_158 : i32
      %jit3A_160 = arith.constant 1 : i32
      %select_n3A_161 = arith.select %eq3A_159, %jit3A_160, %jit3A_157 : i32
      %rem3A_162 = vector.broadcast %select_n3A_161 : i32 to vector<64x16xi32>
      %rem3A_163 = arith.remsi %iota3A_69, %rem3A_162 : vector<64x16xi32>
      %ne3A_164 = arith.constant 0 : i32
      %ne3A_165 = vector.broadcast %ne3A_164 : i32 to vector<64x16xi32>
      %ne3A_166 = arith.cmpi ne, %rem3A_163, %ne3A_165 : vector<64x16xi32>
      %lt3A_167 = arith.constant 0 : i32
      %lt3A_168 = vector.broadcast %lt3A_167 : i32 to vector<64x16xi32>
      %lt3A_169 = arith.cmpi slt, %rem3A_163, %lt3A_168 : vector<64x16xi32>
      %lt3A_170 = arith.constant 0 : i32
      %lt3A_171 = arith.cmpi slt, %select_n3A_161, %lt3A_170 : i32
      %ne3A_172 = vector.broadcast %lt3A_171 : i1 to vector<64x16xi1>
      %ne3A_173 = vector.broadcast %ne3A_172 : vector<64x16xi1> to vector<64x16xi1>
      %ne3A_174 = arith.xori %lt3A_169, %ne3A_173 : vector<64x16xi1>
      %and3A_175 = arith.andi %ne3A_174, %ne3A_166 : vector<64x16xi1>
      %add3A_176 = vector.broadcast %select_n3A_161 : i32 to vector<64x16xi32>
      %add3A_177 = arith.addi %rem3A_163, %add3A_176 : vector<64x16xi32>
      %select_n3A_178 = arith.select %and3A_175, %add3A_177, %rem3A_163 : vector<64x16xi1>, vector<64x16xi32>
      %eq3A_179 = arith.constant 0 : i32
      %eq3A_180 = vector.broadcast %eq3A_179 : i32 to vector<64x16xi32>
      %eq3A_181 = arith.cmpi eq, %select_n3A_178, %eq3A_180 : vector<64x16xi32>
      %lt3A_182 = arith.constant 8 : i32
      %lt3A_183 = vector.broadcast %lt3A_182 : i32 to vector<64x16xi32>
      %lt3A_184 = arith.cmpi slt, %iota3A_69, %lt3A_183 : vector<64x16xi32>
      %lt3A_185 = arith.constant 52 : i32
      %lt3A_186 = vector.broadcast %lt3A_185 : i32 to vector<64x16xi32>
      %lt3A_187 = arith.cmpi slt, %iota3A_68, %lt3A_186 : vector<64x16xi32>
      %mul3A_188 = arith.constant 8 : i32
      %mul3A_189 = vector.broadcast %mul3A_188 : i32 to vector<64x16xi32>
      %mul3A_190 = arith.muli %select_n3A_118, %mul3A_189 : vector<64x16xi32>
      %jit3A_191 = arith.constant 8 : i32
      %eq3A_192 = arith.constant 0 : i32
      %eq3A_193 = arith.cmpi eq, %jit3A_191, %eq3A_192 : i32
      %jit3A_194 = arith.constant 1 : i32
      %select_n3A_195 = arith.select %eq3A_193, %jit3A_194, %jit3A_191 : i32
      %rem3A_196 = vector.broadcast %select_n3A_195 : i32 to vector<64x16xi32>
      %rem3A_197 = arith.remsi %iota3A_69, %rem3A_196 : vector<64x16xi32>
      %ne3A_198 = arith.constant 0 : i32
      %ne3A_199 = vector.broadcast %ne3A_198 : i32 to vector<64x16xi32>
      %ne3A_200 = arith.cmpi ne, %rem3A_197, %ne3A_199 : vector<64x16xi32>
      %lt3A_201 = arith.constant 0 : i32
      %lt3A_202 = vector.broadcast %lt3A_201 : i32 to vector<64x16xi32>
      %lt3A_203 = arith.cmpi slt, %rem3A_197, %lt3A_202 : vector<64x16xi32>
      %lt3A_204 = arith.constant 0 : i32
      %lt3A_205 = arith.cmpi slt, %select_n3A_195, %lt3A_204 : i32
      %ne3A_206 = vector.broadcast %lt3A_205 : i1 to vector<64x16xi1>
      %ne3A_207 = vector.broadcast %ne3A_206 : vector<64x16xi1> to vector<64x16xi1>
      %ne3A_208 = arith.xori %lt3A_203, %ne3A_207 : vector<64x16xi1>
      %and3A_209 = arith.andi %ne3A_208, %ne3A_200 : vector<64x16xi1>
      %add3A_210 = vector.broadcast %select_n3A_195 : i32 to vector<64x16xi32>
      %add3A_211 = arith.addi %rem3A_197, %add3A_210 : vector<64x16xi32>
      %select_n3A_212 = arith.select %and3A_209, %add3A_211, %rem3A_197 : vector<64x16xi1>, vector<64x16xi32>
      %add3A_213 = arith.addi %mul3A_190, %select_n3A_212 : vector<64x16xi32>
      %lt3A_214 = arith.constant 100 : i32
      %lt3A_215 = vector.broadcast %lt3A_214 : i32 to vector<64x16xi32>
      %lt3A_216 = arith.cmpi slt, %add3A_213, %lt3A_215 : vector<64x16xi32>
      %and3A_217 = arith.andi %lt3A_187, %lt3A_216 : vector<64x16xi1>
      %broadcast_in_dim3A_218 = arith.constant 0 : i32
      %broadcast_in_dim3A_219 = vector.broadcast %broadcast_in_dim3A_218 : i32 to vector<64x16xi32>
      %broadcast_in_dim3A_220 = arith.constant 0.000000e+00 : f32
      %broadcast_in_dim3A_221 = vector.broadcast %broadcast_in_dim3A_220 : f32 to vector<64x16xf32>
      %slice3A = vector.extract_strided_slice %broadcast_in_dim3A_51 {offsets = [0, 0], sizes = [1, 1], strides = [1, 1]} : vector<4x1xi32> to vector<1x1xi32>
      %slice3A_222 = vector.extract_strided_slice %broadcast_in_dim3A_67 {offsets = [0, 0], sizes = [1, 1], strides = [1, 1]} : vector<4x1xi32> to vector<1x1xi32>
      %slice3A_223 = vector.extract_strided_slice %broadcast_in_dim3A_46 {offsets = [0, 0], sizes = [1, 1], strides = [1, 1]} : vector<4x1xf32> to vector<1x1xf32>
      %slice3A_224 = vector.extract_strided_slice %broadcast_in_dim3A_59 {offsets = [0, 0], sizes = [1, 1], strides = [1, 1]} : vector<4x1xf32> to vector<1x1xf32>
      %eq3A_225 = arith.constant 0 : i32
      %eq3A_226 = vector.broadcast %eq3A_225 : i32 to vector<64x16xi32>
      %eq3A_227 = arith.cmpi eq, %min3A_98, %eq3A_226 : vector<64x16xi32>
      %broadcast_in_dim3A_228 = vector.shape_cast %slice3A : vector<1x1xi32> to vector<1x1xi32>
      %broadcast_in_dim3A_229 = vector.broadcast %broadcast_in_dim3A_228 : vector<1x1xi32> to vector<64x16xi32>
      %broadcast_in_dim3A_230 = vector.shape_cast %slice3A_222 : vector<1x1xi32> to vector<1x1xi32>
      %broadcast_in_dim3A_231 = vector.broadcast %broadcast_in_dim3A_230 : vector<1x1xi32> to vector<64x16xi32>
      %select_n3A_232 = arith.select %eq3A_181, %broadcast_in_dim3A_229, %broadcast_in_dim3A_231 : vector<64x16xi1>, vector<64x16xi32>
      %jit3A_233 = arith.constant 0 : i32
      %broadcast_in_dim3A_234 = vector.broadcast %jit3A_233 : i32 to vector<64x16xi32>
      %select_n3A_235 = arith.select %eq3A_227, %select_n3A_232, %broadcast_in_dim3A_234 : vector<64x16xi1>, vector<64x16xi32>
      %add3A_236 = arith.addi %broadcast_in_dim3A_219, %select_n3A_235 : vector<64x16xi32>
      %eq3A_237 = arith.constant 0 : i32
      %eq3A_238 = vector.broadcast %eq3A_237 : i32 to vector<64x16xi32>
      %eq3A_239 = arith.cmpi eq, %min3A_98, %eq3A_238 : vector<64x16xi32>
      %broadcast_in_dim3A_240 = vector.shape_cast %slice3A_223 : vector<1x1xf32> to vector<1x1xf32>
      %broadcast_in_dim3A_241 = vector.broadcast %broadcast_in_dim3A_240 : vector<1x1xf32> to vector<64x16xf32>
      %broadcast_in_dim3A_242 = vector.shape_cast %slice3A_224 : vector<1x1xf32> to vector<1x1xf32>
      %broadcast_in_dim3A_243 = vector.broadcast %broadcast_in_dim3A_242 : vector<1x1xf32> to vector<64x16xf32>
      %select_n3A_244 = arith.select %lt3A_184, %broadcast_in_dim3A_241, %broadcast_in_dim3A_243 : vector<64x16xi1>, vector<64x16xf32>
      %jit3A_245 = arith.constant 0.000000e+00 : f32
      %broadcast_in_dim3A_246 = vector.broadcast %jit3A_245 : f32 to vector<64x16xf32>
      %select_n3A_247 = arith.select %eq3A_239, %select_n3A_244, %broadcast_in_dim3A_246 : vector<64x16xi1>, vector<64x16xf32>
      %add3A_248 = arith.addf %broadcast_in_dim3A_221, %select_n3A_247 : vector<64x16xf32>
      %slice3A_249 = vector.extract_strided_slice %broadcast_in_dim3A_51 {offsets = [1, 0], sizes = [1, 1], strides = [1, 1]} : vector<4x1xi32> to vector<1x1xi32>
      %slice3A_250 = vector.extract_strided_slice %broadcast_in_dim3A_67 {offsets = [1, 0], sizes = [1, 1], strides = [1, 1]} : vector<4x1xi32> to vector<1x1xi32>
      %slice3A_251 = vector.extract_strided_slice %broadcast_in_dim3A_46 {offsets = [1, 0], sizes = [1, 1], strides = [1, 1]} : vector<4x1xf32> to vector<1x1xf32>
      %slice3A_252 = vector.extract_strided_slice %broadcast_in_dim3A_59 {offsets = [1, 0], sizes = [1, 1], strides = [1, 1]} : vector<4x1xf32> to vector<1x1xf32>
      %eq3A_253 = arith.constant 1 : i32
      %eq3A_254 = vector.broadcast %eq3A_253 : i32 to vector<64x16xi32>
      %eq3A_255 = arith.cmpi eq, %min3A_98, %eq3A_254 : vector<64x16xi32>
      %broadcast_in_dim3A_256 = vector.shape_cast %slice3A_249 : vector<1x1xi32> to vector<1x1xi32>
      %broadcast_in_dim3A_257 = vector.broadcast %broadcast_in_dim3A_256 : vector<1x1xi32> to vector<64x16xi32>
      %broadcast_in_dim3A_258 = vector.shape_cast %slice3A_250 : vector<1x1xi32> to vector<1x1xi32>
      %broadcast_in_dim3A_259 = vector.broadcast %broadcast_in_dim3A_258 : vector<1x1xi32> to vector<64x16xi32>
      %select_n3A_260 = arith.select %eq3A_181, %broadcast_in_dim3A_257, %broadcast_in_dim3A_259 : vector<64x16xi1>, vector<64x16xi32>
      %jit3A_261 = arith.constant 0 : i32
      %broadcast_in_dim3A_262 = vector.broadcast %jit3A_261 : i32 to vector<64x16xi32>
      %select_n3A_263 = arith.select %eq3A_255, %select_n3A_260, %broadcast_in_dim3A_262 : vector<64x16xi1>, vector<64x16xi32>
      %add3A_264 = arith.addi %add3A_236, %select_n3A_263 : vector<64x16xi32>
      %eq3A_265 = arith.constant 1 : i32
      %eq3A_266 = vector.broadcast %eq3A_265 : i32 to vector<64x16xi32>
      %eq3A_267 = arith.cmpi eq, %min3A_98, %eq3A_266 : vector<64x16xi32>
      %broadcast_in_dim3A_268 = vector.shape_cast %slice3A_251 : vector<1x1xf32> to vector<1x1xf32>
      %broadcast_in_dim3A_269 = vector.broadcast %broadcast_in_dim3A_268 : vector<1x1xf32> to vector<64x16xf32>
      %broadcast_in_dim3A_270 = vector.shape_cast %slice3A_252 : vector<1x1xf32> to vector<1x1xf32>
      %broadcast_in_dim3A_271 = vector.broadcast %broadcast_in_dim3A_270 : vector<1x1xf32> to vector<64x16xf32>
      %select_n3A_272 = arith.select %lt3A_184, %broadcast_in_dim3A_269, %broadcast_in_dim3A_271 : vector<64x16xi1>, vector<64x16xf32>
      %jit3A_273 = arith.constant 0.000000e+00 : f32
      %broadcast_in_dim3A_274 = vector.broadcast %jit3A_273 : f32 to vector<64x16xf32>
      %select_n3A_275 = arith.select %eq3A_267, %select_n3A_272, %broadcast_in_dim3A_274 : vector<64x16xi1>, vector<64x16xf32>
      %add3A_276 = arith.addf %add3A_248, %select_n3A_275 : vector<64x16xf32>
      %slice3A_277 = vector.extract_strided_slice %broadcast_in_dim3A_51 {offsets = [2, 0], sizes = [1, 1], strides = [1, 1]} : vector<4x1xi32> to vector<1x1xi32>
      %slice3A_278 = vector.extract_strided_slice %broadcast_in_dim3A_67 {offsets = [2, 0], sizes = [1, 1], strides = [1, 1]} : vector<4x1xi32> to vector<1x1xi32>
      %slice3A_279 = vector.extract_strided_slice %broadcast_in_dim3A_46 {offsets = [2, 0], sizes = [1, 1], strides = [1, 1]} : vector<4x1xf32> to vector<1x1xf32>
      %slice3A_280 = vector.extract_strided_slice %broadcast_in_dim3A_59 {offsets = [2, 0], sizes = [1, 1], strides = [1, 1]} : vector<4x1xf32> to vector<1x1xf32>
      %eq3A_281 = arith.constant 2 : i32
      %eq3A_282 = vector.broadcast %eq3A_281 : i32 to vector<64x16xi32>
      %eq3A_283 = arith.cmpi eq, %min3A_98, %eq3A_282 : vector<64x16xi32>
      %broadcast_in_dim3A_284 = vector.shape_cast %slice3A_277 : vector<1x1xi32> to vector<1x1xi32>
      %broadcast_in_dim3A_285 = vector.broadcast %broadcast_in_dim3A_284 : vector<1x1xi32> to vector<64x16xi32>
      %broadcast_in_dim3A_286 = vector.shape_cast %slice3A_278 : vector<1x1xi32> to vector<1x1xi32>
      %broadcast_in_dim3A_287 = vector.broadcast %broadcast_in_dim3A_286 : vector<1x1xi32> to vector<64x16xi32>
      %select_n3A_288 = arith.select %eq3A_181, %broadcast_in_dim3A_285, %broadcast_in_dim3A_287 : vector<64x16xi1>, vector<64x16xi32>
      %jit3A_289 = arith.constant 0 : i32
      %broadcast_in_dim3A_290 = vector.broadcast %jit3A_289 : i32 to vector<64x16xi32>
      %select_n3A_291 = arith.select %eq3A_283, %select_n3A_288, %broadcast_in_dim3A_290 : vector<64x16xi1>, vector<64x16xi32>
      %add3A_292 = arith.addi %add3A_264, %select_n3A_291 : vector<64x16xi32>
      %eq3A_293 = arith.constant 2 : i32
      %eq3A_294 = vector.broadcast %eq3A_293 : i32 to vector<64x16xi32>
      %eq3A_295 = arith.cmpi eq, %min3A_98, %eq3A_294 : vector<64x16xi32>
      %broadcast_in_dim3A_296 = vector.shape_cast %slice3A_279 : vector<1x1xf32> to vector<1x1xf32>
      %broadcast_in_dim3A_297 = vector.broadcast %broadcast_in_dim3A_296 : vector<1x1xf32> to vector<64x16xf32>
      %broadcast_in_dim3A_298 = vector.shape_cast %slice3A_280 : vector<1x1xf32> to vector<1x1xf32>
      %broadcast_in_dim3A_299 = vector.broadcast %broadcast_in_dim3A_298 : vector<1x1xf32> to vector<64x16xf32>
      %select_n3A_300 = arith.select %lt3A_184, %broadcast_in_dim3A_297, %broadcast_in_dim3A_299 : vector<64x16xi1>, vector<64x16xf32>
      %jit3A_301 = arith.constant 0.000000e+00 : f32
      %broadcast_in_dim3A_302 = vector.broadcast %jit3A_301 : f32 to vector<64x16xf32>
      %select_n3A_303 = arith.select %eq3A_295, %select_n3A_300, %broadcast_in_dim3A_302 : vector<64x16xi1>, vector<64x16xf32>
      %add3A_304 = arith.addf %add3A_276, %select_n3A_303 : vector<64x16xf32>
      %slice3A_305 = vector.extract_strided_slice %broadcast_in_dim3A_51 {offsets = [3, 0], sizes = [1, 1], strides = [1, 1]} : vector<4x1xi32> to vector<1x1xi32>
      %slice3A_306 = vector.extract_strided_slice %broadcast_in_dim3A_67 {offsets = [3, 0], sizes = [1, 1], strides = [1, 1]} : vector<4x1xi32> to vector<1x1xi32>
      %slice3A_307 = vector.extract_strided_slice %broadcast_in_dim3A_46 {offsets = [3, 0], sizes = [1, 1], strides = [1, 1]} : vector<4x1xf32> to vector<1x1xf32>
      %slice3A_308 = vector.extract_strided_slice %broadcast_in_dim3A_59 {offsets = [3, 0], sizes = [1, 1], strides = [1, 1]} : vector<4x1xf32> to vector<1x1xf32>
      %eq3A_309 = arith.constant 3 : i32
      %eq3A_310 = vector.broadcast %eq3A_309 : i32 to vector<64x16xi32>
      %eq3A_311 = arith.cmpi eq, %min3A_98, %eq3A_310 : vector<64x16xi32>
      %broadcast_in_dim3A_312 = vector.shape_cast %slice3A_305 : vector<1x1xi32> to vector<1x1xi32>
      %broadcast_in_dim3A_313 = vector.broadcast %broadcast_in_dim3A_312 : vector<1x1xi32> to vector<64x16xi32>
      %broadcast_in_dim3A_314 = vector.shape_cast %slice3A_306 : vector<1x1xi32> to vector<1x1xi32>
      %broadcast_in_dim3A_315 = vector.broadcast %broadcast_in_dim3A_314 : vector<1x1xi32> to vector<64x16xi32>
      %select_n3A_316 = arith.select %eq3A_181, %broadcast_in_dim3A_313, %broadcast_in_dim3A_315 : vector<64x16xi1>, vector<64x16xi32>
      %jit3A_317 = arith.constant 0 : i32
      %broadcast_in_dim3A_318 = vector.broadcast %jit3A_317 : i32 to vector<64x16xi32>
      %select_n3A_319 = arith.select %eq3A_311, %select_n3A_316, %broadcast_in_dim3A_318 : vector<64x16xi1>, vector<64x16xi32>
      %add3A_320 = arith.addi %add3A_292, %select_n3A_319 : vector<64x16xi32>
      %eq3A_321 = arith.constant 3 : i32
      %eq3A_322 = vector.broadcast %eq3A_321 : i32 to vector<64x16xi32>
      %eq3A_323 = arith.cmpi eq, %min3A_98, %eq3A_322 : vector<64x16xi32>
      %broadcast_in_dim3A_324 = vector.shape_cast %slice3A_307 : vector<1x1xf32> to vector<1x1xf32>
      %broadcast_in_dim3A_325 = vector.broadcast %broadcast_in_dim3A_324 : vector<1x1xf32> to vector<64x16xf32>
      %broadcast_in_dim3A_326 = vector.shape_cast %slice3A_308 : vector<1x1xf32> to vector<1x1xf32>
      %broadcast_in_dim3A_327 = vector.broadcast %broadcast_in_dim3A_326 : vector<1x1xf32> to vector<64x16xf32>
      %select_n3A_328 = arith.select %lt3A_184, %broadcast_in_dim3A_325, %broadcast_in_dim3A_327 : vector<64x16xi1>, vector<64x16xf32>
      %jit3A_329 = arith.constant 0.000000e+00 : f32
      %broadcast_in_dim3A_330 = vector.broadcast %jit3A_329 : f32 to vector<64x16xf32>
      %select_n3A_331 = arith.select %eq3A_323, %select_n3A_328, %broadcast_in_dim3A_330 : vector<64x16xi1>, vector<64x16xf32>
      %add3A_332 = arith.addf %add3A_304, %select_n3A_331 : vector<64x16xf32>
      %mul3A_333 = arith.constant 100 : i32
      %mul3A_334 = vector.broadcast %mul3A_333 : i32 to vector<64x16xi32>
      %mul3A_335 = arith.muli %add3A_320, %mul3A_334 : vector<64x16xi32>
      %add3A_336 = arith.addi %mul3A_335, %min3A_156 : vector<64x16xi32>
      %swap3A = arith.constant 0 : index
      %swap3A_337 = arith.constant 0 : index
      %swap3A_338 = vector.load %arg4[%swap3A, %swap3A_337] : memref<128x16xi32, #tpu.memory_space<vmem>>, vector<64x16xi32>
      tpu.vector_store %arg4[%swap3A, %swap3A_337], %add3A_336 {strides = array<i32>} : memref<128x16xi32, #tpu.memory_space<vmem>>, vector<64x16xi32>,
      %jit3A_339 = arith.constant 0.000000e+00 : f32
      %broadcast_in_dim3A_340 = vector.broadcast %jit3A_339 : f32 to vector<64x16xf32>
      %select_n3A_341 = arith.select %and3A_217, %add3A_332, %broadcast_in_dim3A_340 : vector<64x16xi1>, vector<64x16xf32>
      %mul3A_342 = arith.constant 0x4B800000 : f32
      %mul3A_343 = vector.broadcast %mul3A_342 : f32 to vector<64x16xf32>
      %mul3A_344 = arith.mulf %select_n3A_341, %mul3A_343 : vector<64x16xf32>
      %convert_element_type3A_345 = arith.fptosi %mul3A_344 : vector<64x16xf32> to vector<64x16xi32>
      %swap3A_346 = arith.constant 64 : index
      %swap3A_347 = arith.constant 0 : index
      %swap3A_348 = vector.load %arg4[%swap3A_346, %swap3A_347] : memref<128x16xi32, #tpu.memory_space<vmem>>, vector<64x16xi32>
      tpu.vector_store %arg4[%swap3A_346, %swap3A_347], %convert_element_type3A_345 {strides = array<i32>} : memref<128x16xi32, #tpu.memory_space<vmem>>, vector<64x16xi32>,
    } else {
    }
    return
  }
  func.func @transform_0(%arg0: i32) -> (i32, i32, i32) {
    %c0_i32 = arith.constant 0 : i32
    %c0_i32_0 = arith.constant 0 : i32
    %c0_i32_1 = arith.constant 0 : i32
    return %c0_i32, %arg0, %c0_i32_0 : i32, i32, i32
  }
  func.func @transform_1(%arg0: i32) -> (i32, i32) {
    %c0_i32 = arith.constant 0 : i32
    %c0_i32_0 = arith.constant 0 : i32
    return %c0_i32, %arg0 : i32, i32
  }
  func.func @transform_2(%arg0: i32) -> (i32, i32) {
    %c0_i32 = arith.constant 0 : i32
    %c0_i32_0 = arith.constant 0 : i32
    %c0_i32_1 = arith.constant 0 : i32
    return %c0_i32, %c0_i32_0 : i32, i32
  }
  func.func @transform_3(%arg0: i32) -> (i32, i32) {
    %c0_i32 = arith.constant 0 : i32
    %c0_i32_0 = arith.constant 0 : i32
    %c0_i32_1 = arith.constant 0 : i32
    return %c0_i32, %c0_i32_0 : i32, i32
  }
}

</mosaic_0001>

<sc_bundles>
// kernel: kernel.4.cloned.1.call-start
scs
__scs_entry_jumppad:
0x0: {  	(pc) =	sbr.rel $0x88, $3  }
0x1: {  	(tag) =	ssettag $0x0;
	lr =	simm.s32 $0x1  }
0x2: {  	[smem:$0x3F9D] =	sst lr;
	_ =	strace $0xD0000000  }
0x3: {  	_ = 	snop  }
0x4: {  	_ = 	snop  }
0x5: {  	_ = 	snop  }
0x6: {  	_ = 	snop  }
0x7: {  	_ = 	snop  }
__scs_overlays_trampoline_lowered:
0x8: {  	[smem:$0x3FAC] =	sst s0  }
0x9: {  	[smem:$0x3FAD] =	sst s1  }
0xa: {  	[smem:$0x3FAE] =	sst s2  }
0xb: {  	[smem:$0x3FAF] =	sst s3  }
0xc: {  	[smem:$0x3FB0] =	sst s4  }
0xd: {  	[smem:$0x3FB1] =	sst s5  }
0xe: {  	[smem:$0x3FB2] =	sst s6  }
0xf: {  	[smem:$0x3FB3] =	sst s7  }
0x10: {  	[smem:$0x3FB4] =	sst s8  }
0x11: {  	[smem:$0x3FB5] =	sst s9;
	s0 =	simm.s32 @!p0 $0x0  }
0x12: {  	s1 =	sld [smem:$0x3F9B];
	s0 =	simm.s32 @p0 $0x1  }
0x13: {  	[smem:$0x3FB6] =	sst s0;
	s0 =	simm.s32 @!p1 $0x0  }
0x14: {  	s2 =	sld [smem:$0x3F9A];
	s0 =	simm.s32 @p1 $0x1  }
0x15: {  	[smem:$0x3FB7] =	sst s0;
	s0 =	simm.s32 @!p2 $0x0  }
0x16: {  	s3 =	sld [smem:$0x3FDB];
	s0 =	simm.s32 @p2 $0x1  }
0x17: {  	s4 =	simm.s32 $0x1BF5;
	[smem:$0x3FB9] =	sst s0  }
0x18: {  	s0 =	sld [smem:$0x3F9C];
	_ =	swait.ge [sflag:s4], $0x0  }
0x19: {  	s7 =	sld [smem:$0x3F9D]  }
0x1a: {  	s8 =	sadd.s32 $0xFFFFE003, lr  }
0x1b: {  	s9 =	sadd.s32 $0xFFFFFEF7, lr;
	s5 =	simm.s32 $0xFFFFFFFF;
	p2 =	slt.u32 s8, $0xFFFFF086  }
0x1c: {  	p1 =	slt.u32 s9, $0xF7A;
	s5 =	simm.s32 @!p2 $0x0  }
0x1d: {  	s5 =	simm.s32 @p1 $0x1;
	p0 =	seq.s32 s7, s2  }
0x1e: {  	s7 =	smul.u32 @!p0 $0xF7A, s2;
	p2 =	seq.s32 @!p0 s5, $0x0  }
0x1f: {  	s9 =	smul.u32 $0xF7A, s1;
	s8 =	simm.s32 @!p0 $0x1BF5;
	p2 =	por !p2, p0  }
0x20: {  	[sflag:s8] =	ssyncset.s32 @!p0 $0xFFFFF086;
	s6 =	sadd.s32 @!p0 s3, s7;
	s7 =	simm.s32 @!p0 $0x108  }
0x21: {  	s3 =	sadd.s32 s3, s9;
	s6 =	sadd.s32 @!p0 $0x88, s6;
	s7 =	simm.s32 @p2 $0x1082  }
0x22: {  	[simem:s7], [sflag:s8] =	dma.local @!p0 [hbm:s6], $0xF7A  }
0x23: {  	s9 =	sor.u32 $0xD0000000, s2;
	s6 =	simm.s32 $0x108;
	_ =	swait.ge @!p0 [sflag:s8], $0x0  }
0x24: {  	s3 =	sadd.s32 $0x88, s3;
	s6 =	simm.s32 @!p1 $0x1082;
	[sflag:s4] =	ssyncset.s32 $0xFFFFF086  }
0x25: {  	[simem:s6], [sflag:s4] =	dma.local [hbm:s3], $0xF7A  }
0x26: {  	[smem:$0x3F9D] =	sst s1;
	(tag) =	ssettag s2;
	_ =	strace s9  }
0x27: {  	s1 =	sld [smem:$0x3FAD]  }
0x28: {  	s2 =	sld [smem:$0x3FAE]  }
0x29: {  	s4 =	sld [smem:$0x3FB0]  }
0x2a: {  	p0 =	seq.s32 s5, $0x0;
	s5 =	sld [smem:$0x3FB1]  }
0x2b: {  	s6 =	sld [smem:$0x3FB2]  }
0x2c: {  	s7 =	sld [smem:$0x3FB3]  }
0x2d: {  	s3 =	simm.s32 $0x108;
	s8 =	sld [smem:$0x3FB4]  }
0x2e: {  	s3 =	simm.s32 @!p0 $0x1082;
	s9 =	sld [smem:$0x3FB5]  }
0x2f: {  	lr =	sadd.s32 s0, s3;
	s0 =	sld [smem:$0x3FAC]  }
0x30: {  	s3 =	sld [smem:$0x3FAF]  }
0x31: {  	[smem:$0x3FB8] =	sst s10  }
0x32: {  	s10 =	sld [smem:$0x3FB6];
	_ =	sdelay $0x3  }
0x33: {  	p0 =	seq.s32 s10, $0x1;
	s10 =	sld [smem:$0x3FB8];
	_ =	sdelay $0x3  }
0x34: {  	[smem:$0x3FB8] =	sst s10  }
0x35: {  	s10 =	sld [smem:$0x3FB7];
	_ =	sdelay $0x3  }
0x36: {  	p1 =	seq.s32 s10, $0x1;
	s10 =	sld [smem:$0x3FB8];
	_ =	sdelay $0x3  }
0x37: {  	[smem:$0x3FB8] =	sst s10  }
0x38: {  	s10 =	sld [smem:$0x3FB9]  }
0x39: {  	_ = 	snop;
	(pc) =	sbr.ind lr, $3  }
0x3a: {  	_ = 	snop  }
0x3b: {  	_ = 	snop  }
0x3c: {  	p2 =	seq.s32 s10, $0x1;
	s10 =	sld [smem:$0x3FB8]  }
0x3d: {  	_ =	shalt  }
0x3e: {  	_ =	shalt  }
0x3f: {  	_ =	shalt  }
0x40: {  	_ =	shalt  }
0x41: {  	_ =	shalt  }
0x42: {  	_ =	shalt  }
0x43: {  	_ =	shalt  }
0x44: {  	_ =	shalt  }
0x45: {  	_ =	shalt  }
0x46: {  	_ =	shalt  }
0x47: {  	_ =	shalt  }
0x48: {  	_ =	shalt  }
0x49: {  	_ =	shalt  }
0x4a: {  	_ =	shalt  }
0x4b: {  	_ =	shalt  }
0x4c: {  	_ =	shalt  }
0x4d: {  	_ =	shalt  }
0x4e: {  	_ =	shalt  }
0x4f: {  	_ =	shalt  }
0x50: {  	_ =	shalt  }
0x51: {  	_ =	shalt  }
0x52: {  	_ =	shalt  }
0x53: {  	_ =	shalt  }
0x54: {  	_ =	shalt  }
0x55: {  	_ =	shalt  }
0x56: {  	_ =	shalt  }
0x57: {  	_ =	shalt  }
0x58: {  	_ =	shalt  }
0x59: {  	_ =	shalt  }
0x5a: {  	_ =	shalt  }
0x5b: {  	_ =	shalt  }
0x5c: {  	_ =	shalt  }
0x5d: {  	_ =	shalt  }
0x5e: {  	_ =	shalt  }
0x5f: {  	_ =	shalt  }
0x60: {  	_ =	shalt  }
0x61: {  	_ =	shalt  }
0x62: {  	_ =	shalt  }
0x63: {  	_ =	shalt  }
0x64: {  	_ =	shalt  }
0x65: {  	_ =	shalt  }
0x66: {  	_ =	shalt  }
0x67: {  	_ =	shalt  }
0x68: {  	_ =	shalt  }
0x69: {  	_ =	shalt  }
0x6a: {  	_ =	shalt  }
0x6b: {  	_ =	shalt  }
0x6c: {  	_ =	shalt  }
0x6d: {  	_ =	shalt  }
0x6e: {  	_ =	shalt  }
0x6f: {  	_ =	shalt  }
0x70: {  	_ =	shalt  }
0x71: {  	_ =	shalt  }
0x72: {  	_ =	shalt  }
0x73: {  	_ =	shalt  }
0x74: {  	_ =	shalt  }
0x75: {  	_ =	shalt  }
0x76: {  	_ =	shalt  }
0x77: {  	_ =	shalt  }
0x78: {  	_ =	shalt  }
0x79: {  	_ =	shalt  }
0x7a: {  	_ =	shalt  }
0x7b: {  	_ =	shalt  }
0x7c: {  	_ =	shalt  }
0x7d: {  	_ =	shalt  }
0x7e: {  	_ =	shalt  }
0x7f: {  	_ =	shalt  }
0x80: {  	_ =	shalt  }
0x81: {  	_ =	shalt  }
0x82: {  	_ =	shalt  }
0x83: {  	_ =	shalt  }
0x84: {  	_ =	shalt  }
0x85: {  	_ =	shalt  }
0x86: {  	_ =	shalt  }
0x87: {  	_ =	shalt  }
.Lfunc_end0:
.L_simem_size_0:
called_computation_lowered:
.L_overlay_start_0:
0x88: {  	s2 =	sld [smem:$0x3FD9]  }
0x89: {  	s3 =	sld [smem:$0x3FFE];
	_ =	sdelay $0x1  }
0x8a: {  	s1 =	srdreg.scid  }
0x8b: {  	s0 =	sand.u32 $0x1, s1  }
0x8c: {  	s17 =	sshll.u32 s0, $0xA;
	s2 =	sadd.s32 s3, s2  }
0x8d: {  	s2 =	sadd.s32 s2, s17  }
0x8e: {  	[smem:$0x3FC4] =	sst s2  }
0x8f: {  	_ = 	snop  }
0x90: {  	s2 =	sld [smem:$0x3FC7]  }
0x91: {  	s18 =	sld [smem:$0x3FD0];
	(tm) =	ssettm $0x1  }
0x92: {  	s4 =	sld [smem:$0x3FFB];
	_ =	sdelay $0x3  }
0x93: {  	_ =	strace s4  }
0x94: {  	s4 =	sld [smem:$0x3FFC];
	_ =	sdelay $0x3  }
0x95: {  	_ =	strace s4  }
0x96: {  	s4 =	sld [smem:$0x3FFD];
	_ =	sdelay $0x3  }
0x97: {  	_ =	strace s4  }
0x98: {  	_ =	strace $0x8FFFFFFF  }
0x99: {  	s19 =	sld [smem:$0x3FDB];
	_ =	sdelay $0x1  }
0x9a: {  	s5 =	simm.s32 $_scs_section_size  }
0x9b: {  	s6 =	simm.s32 $_size__tile_overlayer_lowered;
	s7 =	simm.s32 $_tile_overlayer_lowered  }
0x9c: {  	s22 =	simm.s32 $0x1BFF;
	s21 =	sshll.u32 s7, $0x1;
	s4 =	sadd.s32 s5, s19  }
0x9d: {  	s8 =	simm.s32 $0x0;
	s20 =	sshll.u32 s6, $0x1;
	s6 =	sadd.s32 s21, s4  }
0x9e: {  	[timem:s8], [sflag:s22] =	dma.local [hbm:s6], s20  }
0x9f: {  	_ =	swait.ge [sflag:s22], s20  }
0xa0: {  	s5 =	ssub.s32 $0x0, s20;
	[sflag:s22] =	ssyncset.done $0x0  }
0xa1: {  	[sflag:s22] =	ssyncadd.s32 s5;
	_ =	sdelay $0x1  }
0xa2: {  	s23 =	simm.s32 $0x1B8B  }
0xa3: {  	_ =	swait.ge [sflag:s23], $0x1  }
0xa4: {  	[sflag:s23] =	ssyncset.done $0x0  }
0xa5: {  	s25 =	simm.s32 $0x1B8E;
	s24 =	sld [smem:$0x3FFE];
	[sflag:s23] =	ssyncadd.s32 $0xFFFFFFFF  }
0xa6: {  	s26 =	simm.s32 $execute0_lowered;
	[smem:$0x3FD2] =	sst s25  }
0xa7: {  	s6 =	sshll.u32 s26, $0x1;
	_ =	strace $0x80000046;
	[dreg:$0x1] =	wrdreg $0xFFFFFFFF  }
0xa8: {  	s28 =	simm.s32 $_size_execute0_lowered;
	s4 =	sadd.s32 s4, s6;
	[dreg:$0x0] =	wrdreg $0x0  }
0xa9: {  	s6 =	sshll.u32 s28, $0x1;
	[dreg:$0x2] =	wrdreg s4  }
0xaa: {  	[dreg:$0x3] =	wrdreg s6  }
0xab: {  	[dreg:$0x4] =	wrdreg $0xC0  }
0xac: {  	_ =	task [dreg:s8], $0x5FFFF  }
0xad: {  	[dreg:$0x1] =	wrdreg $0xFFFFFFFF  }
0xae: {  	[dreg:$0x0] =	wrdreg $0x60  }
0xaf: {  	[dreg:$0x2] =	wrdreg s2  }
0xb0: {  	[dreg:$0x3] =	wrdreg s18  }
0xb1: {  	[dreg:$0x4] =	wrdreg s24  }
0xb2: {  	[dreg:$0x5] =	wrdreg $0x9  }
0xb3: {  	_ =	task.clear_ibuf [dreg:s8], $0x6FFFF;
	_ =	strace $0x90000046  }
0xb4: {  	s29 =	simm.s32 $0x9;
	_ =	strace $0x80000048  }
0xb5: {  	_ =	swait.ge [sflag:s29], $0x1  }
0xb6: {  	[sflag:s29] =	ssyncadd.s32 $0xFFFFFFFF  }
0xb7: {  	_ =	strace $0x90000048  }
0xb8: {  	_ =	sfence  }
0xb9: {  	s30 =	sld [smem:$0x0];
	_ =	sdelay $0x2  }
0xba: {  	s31 =	sshll.u32 s1, $0xD;
	s1 =	sshrl.u32 s1, $0x2  }
0xbb: {  	s3 =	sand.u32 $0x4000, s31;
	s1 =	sadd.s32 s1, s30  }
0xbc: {  	s0 =	sor.u32 s3, s0;
	s1 =	sshll.u32 s1, $0x11  }
0xbd: {  	s0 =	sor.u32 s1, s0  }
0xbe: {  	s0 =	sadd.s32 $0x8F2B, s0  }
0xbf: {  	[sflag:s0] =	ssyncadd.remote.s32 $0x1  }
0xc0: {  	_ =	sfence.sel $0xFFFF  }
0xc1: {  	[dreg:$0x0] =	wrdreg $0xFFFFFFFF;
	(pc) =	sbr.abs _section_cstart, $3  }
0xc2: {  	[dreg:$0x1] =	wrdreg $0xFFFFFFFF  }
0xc3: {  	_ =	task.clear_ibuf [dreg:s8], $0x2FFFF;
	_ =	strace $0x9FFFFFFF  }
0xc4: {  	(tm) =	ssettm $0x7FFFFFFF  }
0xc5: {  	_ =	shalt  }
tec
execute0_lowered:
.L_overlay_start_1:
0x0: {  	(tag) =	ssettag $0x1  }
0x1: {  	s1 =	rddreg [dreg:$0x0]  }
0x2: {  	s0 =	srdreg.scid;
	s20 =	stileid.u32  }
0x3: {  	s2 =	rddreg [dreg:$0x2];
	s4 =	simm.s32 $0x0;
	s23 =	simm.s32 $0xB000  }
0x4: {  	s24 =	simm.s32 $0xB800;
	s28 =	simm.s32 $0x2;
	s29 =	simm.s32 $0x0  }
0x5: {  	s0 =	sand.u32 $0x1, s0;
	s3 =	sshll.u32 s20, $0x1;
	[smem:$0x7FF] =	sst s4  }
0x6: {  	s2 =	sadd.s32 $0xA00, s2;
	s7 =	sadd.s32 $0x200, s1;
	s8 =	sadd.s32 $0x300, s1  }
0x7: {  	s9 =	sadd.s32 $0x400, s1;
	s13 =	sadd.s32 $0x700, s1;
	s3 =	sor.u32 s0, s3  }
0x8: {  	p0 =	sgt.u32 s20, $0x9;
	s20 =	simm.s32 $0x4;
	s5 =	smul.u32 $0x14, s3  }
0x9: {  	s0 =	ssub.s32 $0x2, s0;
	_ =	strace $0x80000047;
	s14 =	sor.u32 $0x20, s3  }
0xa: {  	s6 =	sshrl.u32 s0, $0x1;
	s12 =	smul.u32 $0x14, s14;
	s11 =	sshrl.u32 s5, $0x8  }
0xb: {  	s0 =	ssub.s32 s0, s6;
	s6 =	sadd.s32 $0x100, s1;
	s10 =	smul.u32 $0xD, s11  }
0xc: {  	s21 =	sshll.u32 s14, $0x9;
	s26 =	smul.u32 $0x34000, s11;
	s15 =	sshrl.u32 s12, $0x8  }
0xd: {  	s5 =	sshll.u32 s3, $0x7;
	s25 =	sshrl.u32 @!p0 s21, $0x2;
	s17 =	smul.u32 $0xD, s15  }
0xe: {  	s11 =	sadd.s32 $0x500, s1;
	s18 =	smul.u32 $0x34000, s15;
	s3 =	ssub.s32 s3, s10  }
0xf: {  	s12 =	sadd.s32 $0x600, s1;
	s10 =	sand.u32 $0xFF, s3;
	s17 =	ssub.s32 s14, s17  }
0x10: {  	s3 =	sshrl.u32 s26, $0x3;
	s30 =	sshrl.u32 s18, $0x3;
	s16 =	sshll.u32 s10, $0xE  }
.Ltmp0:
0x11: {  	s15 =	sand.u32 $0xFF, s17;
	s3 =	sadd.s32 s2, s3;
	(pc) =	sbr.rel .LBB2_1-.Ltmp0, $4  }
0x12: {  	s19 =	sadd.s32 s2, s30;
	s16 =	sadd.s32 s16, s26;
	s17 =	sshll.u32 s15, $0xE  }
0x13: {  	v2 =	vlaneseq.u32;
	s26 =	simm.s32 $0x1;
	s16 =	sshrl.u32 s16, $0x3;
	s18 =	sadd.s32 s17, s18  }
0x14: {  	vm0 =	vmmov $0xffff;
	v1 =	vshrl.u32 v2, $0x3;
	v0 =	vand.u32 $0x7, v2;
	s17 =	sadd.s32 $0x6000, s19;
	s19 =	smax.u32 s0, $0x1;
	s31 =	sshrl.u32 s18, $0x3  }
0x15: {  	v2 =	vor.u32 $0x8, v2;
	v1 =	vmul.u32 $0x8, v1;
	vm1 =	vmmov @!p0 $0xffff;
	s14 =	sadd.s32 s2, s16;
	s16 =	sadd.s32 $0x6000, s3;
	s18 =	sadd.s32 s2, s31  }
.LBB2_11:
0x16: {  	s0 =	simm.s32 @p1 $0x3;
	s29 =	sadd.s32 $0x1, s29  }
0x17: {  	_ =	swait.ge @p1 [sflag:s0], $0x2000;
	p2 =	sne.s32 s29, s19  }
.Ltmp1:
0x18: {  	[sflag:s0] =	ssyncset.done @p1 $0x0;
	(pc) =	sbr.rel @!p2 .LBB2_12-.Ltmp1, $4  }
0x19: {  	[sflag:s0] =	ssyncadd.s32 @p1 $0xFFFFE000;
	s0 =	simm.s32 @!p1 $0x3  }
0x1a: {  	_ =	swait.ge @!p1 [sflag:s0], $0x4000  }
0x1b: {  	[sflag:s0] =	ssyncset.done @!p1 $0x0  }
0x1c: {  	[sflag:s0] =	ssyncadd.s32 @!p1 $0xFFFFC000  }
.LBB2_1:
0x1d: {  	s0 =	rddreg [dreg:$0x1]  }
0x1e: {  	[tilespmem:s4], [sflag:$0x4] =	stream.linear.gather [hbm4b:s0+s4], $0x4000, $0x38;
	[tilespmem:$0x1C000] =	vst v63  }
0x1f: {  	_ =	swait.ge [sflag:s20], $0x4000  }
0x20: {  	[sflag:s20] =	ssyncset.done $0x0  }
0x21: {  	[sflag:s20] =	ssyncadd.s32 $0xFFFFC000  }
0x22: {  	v3 =	vld [tilespmem:s5+$0x0];
	_ =	sdelay $0x4  }
0x23: {  	v4 =	vshll.u32 v3, $0x4  }
0x24: {  	v3 =	vand.u32 $0x7, v3;
	v4 =	vand.u32 $0xFFFFFF80, v4  }
0x25: {  	v3 =	vor.u32 v3, v4  }
0x26: {  	v4 =	vperm.xlane v3, v0;
	_ =	sdelay $0x1  }
0x27: {  	v4 =	vadd.s32 v1, v4;
	_ =	sdelay $0x3  }
0x28: {  	s3 =	simm.s32 $0x4000  }
0x29: {  	[tilespmem:s3], [sflag:$0x1] =	stream.indirect_vreg.gather [hbm4b:s1+s4], $0x80, v4, vm0, $0xb8;
	[tilespmem:$0x1C000] =	vst v63  }
0x2a: {  	s21 =	simm.s32 $0x4800  }
0x2b: {  	[tilespmem:s21], [sflag:$0x1] =	stream.indirect_vreg.gather [hbm4b:s6+s4], $0x80, v4, vm0, $0xb8;
	[tilespmem:$0x1C000] =	vst v63  }
0x2c: {  	s22 =	simm.s32 $0x5000  }
0x2d: {  	[tilespmem:s22], [sflag:$0x1] =	stream.indirect_vreg.gather [hbm4b:s7+s4], $0x80, v4, vm0, $0xb8;
	[tilespmem:$0x1C000] =	vst v63  }
0x2e: {  	s30 =	simm.s32 $0x5800  }
0x2f: {  	[tilespmem:s30], [sflag:$0x1] =	stream.indirect_vreg.gather [hbm4b:s8+s4], $0x80, v4, vm0, $0xb8;
	[tilespmem:$0x1C000] =	vst v63  }
0x30: {  	s2 =	simm.s32 $0x6000  }
0x31: {  	[tilespmem:s2], [sflag:$0x1] =	stream.indirect_vreg.gather [hbm4b:s9+s4], $0x80, v4, vm0, $0xb8;
	[tilespmem:$0x1C000] =	vst v63  }
0x32: {  	v3 =	vperm.xlane v3, v2;
	s3 =	simm.s32 $0x6800  }
0x33: {  	[tilespmem:s3], [sflag:$0x1] =	stream.indirect_vreg.gather [hbm4b:s11+s4], $0x80, v4, vm0, $0xb8;
	[tilespmem:$0x1C000] =	vst v63  }
0x34: {  	v3 =	vadd.s32 v1, v3;
	s21 =	simm.s32 $0x7000  }
0x35: {  	[tilespmem:s21], [sflag:$0x1] =	stream.indirect_vreg.gather [hbm4b:s12+s4], $0x80, v4, vm0, $0xb8;
	[tilespmem:$0x1C000] =	vst v63  }
0x36: {  	s22 =	simm.s32 $0x7800  }
0x37: {  	[tilespmem:s22], [sflag:$0x1] =	stream.indirect_vreg.gather [hbm4b:s13+s4], $0x80, v4, vm0, $0xb8;
	[tilespmem:$0x1C000] =	vst v63  }
0x38: {  	s30 =	simm.s32 $0x8000  }
0x39: {  	[tilespmem:s30], [sflag:$0x1] =	stream.indirect_vreg.gather [hbm4b:s1+s4], $0x80, v3, vm0, $0xb8;
	[tilespmem:$0x1C000] =	vst v63  }
0x3a: {  	s2 =	simm.s32 $0x8800  }
0x3b: {  	[tilespmem:s2], [sflag:$0x1] =	stream.indirect_vreg.gather [hbm4b:s6+s4], $0x80, v3, vm0, $0xb8;
	[tilespmem:$0x1C000] =	vst v63  }
0x3c: {  	s3 =	simm.s32 $0x9000  }
0x3d: {  	[tilespmem:s3], [sflag:$0x1] =	stream.indirect_vreg.gather [hbm4b:s7+s4], $0x80, v3, vm0, $0xb8;
	[tilespmem:$0x1C000] =	vst v63  }
0x3e: {  	s21 =	simm.s32 $0x9800  }
0x3f: {  	[tilespmem:s21], [sflag:$0x1] =	stream.indirect_vreg.gather [hbm4b:s8+s4], $0x80, v3, vm0, $0xb8;
	[tilespmem:$0x1C000] =	vst v63  }
0x40: {  	s22 =	simm.s32 $0xA000  }
0x41: {  	[tilespmem:s22], [sflag:$0x1] =	stream.indirect_vreg.gather [hbm4b:s9+s4], $0x80, v3, vm0, $0xb8;
	[tilespmem:$0x1C000] =	vst v63  }
0x42: {  	s30 =	simm.s32 $0xA800  }
0x43: {  	[tilespmem:s30], [sflag:$0x1] =	stream.indirect_vreg.gather [hbm4b:s11+s4], $0x80, v3, vm0, $0xb8;
	[tilespmem:$0x1C000] =	vst v63  }
0x44: {  	_ = 	snop  }
0x45: {  	[tilespmem:s23], [sflag:$0x1] =	stream.indirect_vreg.gather [hbm4b:s12+s4], $0x80, v3, vm0, $0xb8;
	[tilespmem:$0x1C000] =	vst v63  }
0x46: {  	_ = 	snop  }
0x47: {  	[tilespmem:s24], [sflag:$0x1] =	stream.indirect_vreg.gather [hbm4b:s13+s4], $0x80, v3, vm0, $0xb8;
	[tilespmem:$0x1C000] =	vst v63  }
0x48: {  	v3 =	vld @!p0 [tilespmem:s25+$0x0];
	_ =	sdelay $0x4  }
0x49: {  	v4 =	vshll.u32 @!p0 v3, $0x4  }
0x4a: {  	v5 =	vlaneseq.u32 @!p0;
	v3 =	vand.u32 @!p0 $0x7, v3;
	v4 =	vand.u32 @!p0 $0xFFFFFF80, v4  }
0x4b: {  	v6 =	vshrl.u32 @!p0 v5, $0x3;
	v3 =	vor.u32 @!p0 v3, v4;
	v4 =	vand.u32 @!p0 $0x7, v5  }
0x4c: {  	v6 =	vmul.u32 @!p0 $0x8, v6;
	v4 =	vperm.xlane @!p0 v3, v4;
	_ =	sdelay $0x1  }
0x4d: {  	v4 =	vadd.s32 @!p0 v6, v4;
	_ =	sdelay $0x3  }
0x4e: {  	s0 =	simm.s32 @!p0 $0x0;
	s2 =	simm.s32 @!p0 $0xC000  }
0x4f: {  	[tilespmem:s2], [sflag:$0x2] =	stream.indirect_vreg.gather @!p0 [hbm4b:s1+s0], $0x80, v4, vm1, $0xb8;
	[tilespmem:$0x1C000] =	vst v63  }
0x50: {  	s2 =	simm.s32 @!p0 $0xC800  }
0x51: {  	[tilespmem:s2], [sflag:$0x2] =	stream.indirect_vreg.gather @!p0 [hbm4b:s6+s0], $0x80, v4, vm1, $0xb8;
	[tilespmem:$0x1C000] =	vst v63  }
0x52: {  	s2 =	simm.s32 @!p0 $0xD000  }
0x53: {  	[tilespmem:s2], [sflag:$0x2] =	stream.indirect_vreg.gather @!p0 [hbm4b:s7+s0], $0x80, v4, vm1, $0xb8;
	[tilespmem:$0x1C000] =	vst v63  }
0x54: {  	s2 =	simm.s32 @!p0 $0xD800  }
0x55: {  	[tilespmem:s2], [sflag:$0x2] =	stream.indirect_vreg.gather @!p0 [hbm4b:s8+s0], $0x80, v4, vm1, $0xb8;
	[tilespmem:$0x1C000] =	vst v63  }
0x56: {  	s2 =	simm.s32 @!p0 $0xE000  }
0x57: {  	v5 =	vor.u32 @!p0 $0x8, v5;
	[tilespmem:s2], [sflag:$0x2] =	stream.indirect_vreg.gather @!p0 [hbm4b:s9+s0], $0x80, v4, vm1, $0xb8;
	[tilespmem:$0x1C000] =	vst v63  }
0x58: {  	v3 =	vperm.xlane @!p0 v3, v5;
	s2 =	simm.s32 @!p0 $0xE800  }
0x59: {  	[tilespmem:s2], [sflag:$0x2] =	stream.indirect_vreg.gather @!p0 [hbm4b:s11+s0], $0x80, v4, vm1, $0xb8;
	[tilespmem:$0x1C000] =	vst v63  }
0x5a: {  	v3 =	vadd.s32 @!p0 v6, v3;
	s2 =	simm.s32 @!p0 $0xF000  }
0x5b: {  	[tilespmem:s2], [sflag:$0x2] =	stream.indirect_vreg.gather @!p0 [hbm4b:s12+s0], $0x80, v4, vm1, $0xb8;
	[tilespmem:$0x1C000] =	vst v63  }
0x5c: {  	s2 =	simm.s32 @!p0 $0xF800  }
0x5d: {  	[tilespmem:s2], [sflag:$0x2] =	stream.indirect_vreg.gather @!p0 [hbm4b:s13+s0], $0x80, v4, vm1, $0xb8;
	[tilespmem:$0x1C000] =	vst v63  }
0x5e: {  	s2 =	simm.s32 @!p0 $0x10000  }
0x5f: {  	[tilespmem:s2], [sflag:$0x2] =	stream.indirect_vreg.gather @!p0 [hbm4b:s1+s0], $0x80, v3, vm1, $0xb8;
	[tilespmem:$0x1C000] =	vst v63  }
0x60: {  	s2 =	simm.s32 @!p0 $0x10800  }
0x61: {  	[tilespmem:s2], [sflag:$0x2] =	stream.indirect_vreg.gather @!p0 [hbm4b:s6+s0], $0x80, v3, vm1, $0xb8;
	[tilespmem:$0x1C000] =	vst v63  }
0x62: {  	s2 =	simm.s32 @!p0 $0x11000  }
0x63: {  	[tilespmem:s2], [sflag:$0x2] =	stream.indirect_vreg.gather @!p0 [hbm4b:s7+s0], $0x80, v3, vm1, $0xb8;
	[tilespmem:$0x1C000] =	vst v63  }
0x64: {  	s2 =	simm.s32 @!p0 $0x11800  }
0x65: {  	[tilespmem:s2], [sflag:$0x2] =	stream.indirect_vreg.gather @!p0 [hbm4b:s8+s0], $0x80, v3, vm1, $0xb8;
	[tilespmem:$0x1C000] =	vst v63  }
0x66: {  	s2 =	simm.s32 @!p0 $0x12000  }
0x67: {  	[tilespmem:s2], [sflag:$0x2] =	stream.indirect_vreg.gather @!p0 [hbm4b:s9+s0], $0x80, v3, vm1, $0xb8;
	[tilespmem:$0x1C000] =	vst v63  }
0x68: {  	s2 =	simm.s32 @!p0 $0x12800  }
0x69: {  	[tilespmem:s2], [sflag:$0x2] =	stream.indirect_vreg.gather @!p0 [hbm4b:s11+s0], $0x80, v3, vm1, $0xb8;
	[tilespmem:$0x1C000] =	vst v63  }
0x6a: {  	s2 =	simm.s32 @!p0 $0x13000  }
0x6b: {  	[tilespmem:s2], [sflag:$0x2] =	stream.indirect_vreg.gather @!p0 [hbm4b:s12+s0], $0x80, v3, vm1, $0xb8;
	[tilespmem:$0x1C000] =	vst v63  }
0x6c: {  	s2 =	simm.s32 @!p0 $0x13800  }
0x6d: {  	[tilespmem:s2], [sflag:$0x2] =	stream.indirect_vreg.gather @!p0 [hbm4b:s13+s0], $0x80, v3, vm1, $0xb8;
	[tilespmem:$0x1C000] =	vst v63  }
0x6e: {  	_ =	swait.ge [sflag:s26], $0x8000  }
0x6f: {  	[sflag:s26] =	ssyncset.done $0x0  }
0x70: {  	[sflag:s26] =	ssyncadd.s32 $0xFFFF8000  }
0x71: {  	v3 =	vld [tilespmem:s5+$0x2000];
	_ =	sdelay $0x4  }
0x72: {  	v3 =	vcvt.s32.f32 v3  }
0x73: {  	s31 =	simm.s32 $0x0  }
0x74: {  	s3 =	simm.s32 $0x14400;
	s2 =	simm.s32 $0x0;
	s0 =	simm.s32 $0x0;
	v3 =	vmul.f32 $5.960464480e-08, v3  }
.LBB2_2:
0x75: {  	s21 =	sshll.u32 s2, $0x2;
	s22 =	sand.u32 $0x3, s31  }
0x76: {  	s21 =	sand.u32 $0xFFFF0000, s21;
	s22 =	sshll.u32 s22, $0xA  }
0x77: {  	s21 =	sor.u32 s22, s21  }
0x78: {  	s21 =	sshrl.u32 s21, $0x2  }
0x79: {  	s22 =	sadd.s32 $0x4400, s21  }
0x7a: {  	v6 =	vld [tilespmem:s22+$0x70]  }
0x7b: {  	v7 =	vld [tilespmem:s22+$0xF0]  }
0x7c: {  	v9 =	vld [tilespmem:s22+$0xFFFFFC80]  }
0x7d: {  	v8 =	vld [tilespmem:s22+$0xFFFFFC10]  }
0x7e: {  	v10 =	vld [tilespmem:s22+$0xFFFFFC90]  }
0x7f: {  	v11 =	vld [tilespmem:s22+$0xFFFFFC20]  }
0x80: {  	v12 =	vld [tilespmem:s22+$0xFFFFFCA0]  }
0x81: {  	v13 =	vld [tilespmem:s22+$0xFFFFFC30]  }
0x82: {  	v14 =	vld [tilespmem:s22+$0xFFFFFCB0]  }
0x83: {  	v15 =	vld [tilespmem:s22+$0xFFFFFC40]  }
0x84: {  	v16 =	vld [tilespmem:s22+$0xFFFFFCC0]  }
0x85: {  	v17 =	vld [tilespmem:s22+$0xFFFFFC50]  }
0x86: {  	v18 =	vld [tilespmem:s22+$0xFFFFFCD0]  }
0x87: {  	s21 =	sor.u32 $0x8, s0;
	v19 =	vld [tilespmem:s22+$0xFFFFFC60]  }
0x88: {  	v4 =	vmov s0;
	v5 =	vmov s21;
	v20 =	vld [tilespmem:s22+$0xFFFFFCE0]  }
0x89: {  	v4 =	vperm.xlane v3, v4;
	v21 =	vld [tilespmem:s22+$0xFFFFFC70];
	v5 =	vperm.xlane v3, v5  }
0x8a: {  	v22 =	vld [tilespmem:s22+$0xFFFFFCF0]  }
0x8b: {  	v23 =	vld [tilespmem:s22+$0x0];
	v6 =	vmul.f32 v6, v4;
	v7 =	vmul.f32 v7, v5  }
0x8c: {  	v24 =	vld [tilespmem:s22+$0x80];
	v8 =	vmul.f32 v8, v4;
	v10 =	vmul.f32 v10, v5  }
0x8d: {  	v59 =	vld [tilespmem:s22+$0xA0];
	v6 =	vadd.f32 v7, v6;
	v7 =	vmul.f32 v11, v4;
	v11 =	vmul.f32 v12, v5  }
0x8e: {  	v12 =	vld [tilespmem:s22+$0x10];
	v8 =	vadd.f32 v10, v8;
	v10 =	vmul.f32 v13, v4;
	v13 =	vmul.f32 v14, v5  }
0x8f: {  	v14 =	vld [tilespmem:s22+$0x90];
	[tilespmem:s3+$0x70] =	vst v6;
	v6 =	vadd.f32 v11, v7;
	v7 =	vmul.f32 v15, v4;
	v11 =	vmul.f32 v16, v5  }
0x90: {  	v15 =	vld [tilespmem:s22+$0x20];
	[tilespmem:s3+$0xFFFFFC10] =	vst v8;
	v8 =	vadd.f32 v13, v10;
	v10 =	vmul.f32 v17, v4;
	v13 =	vmul.f32 v18, v5  }
0x91: {  	v60 =	vld [tilespmem:s22+$0x30];
	[tilespmem:s3+$0xFFFFFC20] =	vst v6;
	v6 =	vadd.f32 v11, v7;
	v7 =	vmul.f32 v19, v4;
	v11 =	vmul.f32 v20, v5  }
0x92: {  	v61 =	vld [tilespmem:s22+$0xB0];
	[tilespmem:s3+$0xFFFFFC30] =	vst v8;
	v8 =	vadd.f32 v13, v10;
	v10 =	vmul.f32 v21, v4;
	v13 =	vmul.f32 v22, v5  }
0x93: {  	v62 =	vld [tilespmem:s22+$0x40];
	[tilespmem:s3+$0xFFFFFC40] =	vst v6;
	v6 =	vadd.f32 v11, v7;
	v7 =	vmul.f32 v23, v4;
	v11 =	vmul.f32 v24, v5  }
0x94: {  	v12 =	vmul.f32 v12, v4;
	[tilespmem:s3+$0xFFFFFC50] =	vst v8;
	v10 =	vadd.f32 v13, v10;
	v13 =	vmul.f32 v14, v5;
	v14 =	vld [tilespmem:s22+$0xC0]  }
0x95: {  	v8 =	vld [tilespmem:s22+$0x50];
	[tilespmem:s3+$0xFFFFFC60] =	vst v6;
	v6 =	vadd.f32 v11, v7;
	v11 =	vmul.f32 v15, v4;
	v15 =	vmul.f32 v59, v5  }
0x96: {  	[tilespmem:s3+$0xFFFFFC70] =	vst v10;
	v12 =	vadd.f32 v13, v12;
	v7 =	vld [tilespmem:s22+$0xD0]  }
0x97: {  	v63 =	vmul.f32 v61, v5;
	v13 =	vmul.f32 v60, v4;
	v10 =	vld [tilespmem:s22+$0x60];
	[tilespmem:s3+$0x0] =	vst v6;
	v15 =	vadd.f32 v15, v11  }
0x98: {  	v6 =	vmul.f32 v9, v5;
	[tilespmem:s3+$0x10] =	vst v12;
	v11 =	vld [tilespmem:s22+$0xE0]  }
0x99: {  	s30 =	smov.u32 s3;
	s21 =	simm.s32 $0x0;
	v12 =	vmul.f32 v62, v4;
	v9 =	vld [tilespmem:s22+$0xFFFFFC00];
	v13 =	vadd.f32 v63, v13;
	s22 =	sadd.s32 $0x800, s22;
	v14 =	vmul.f32 v14, v5;
	[tilespmem:s3+$0x20] =	vst v15  }
.LBB2_3:
0x9a: {  	v15 =	vld [tilespmem:s22+$0x70];
	v8 =	vmul.f32 v8, v4  }
0x9b: {  	s21 =	sadd.s32 $0x100, s21;
	v16 =	vld [tilespmem:s22+$0xF0];
	[tilespmem:s30+$0x30] =	vst v13;
	v12 =	vadd.f32 v14, v12;
	v7 =	vmul.f32 v7, v5  }
0x9c: {  	p1 =	slt.u32 s21, $0x700;
	v13 =	vld [tilespmem:s22+$0xFFFFFC80];
	v10 =	vmul.f32 v10, v4  }
0x9d: {  	v14 =	vld [tilespmem:s22+$0xFFFFFC10];
	[tilespmem:s30+$0x40] =	vst v12;
	v7 =	vadd.f32 v7, v8;
	v8 =	vmul.f32 v11, v5  }
0x9e: {  	v11 =	vld [tilespmem:s22+$0xFFFFFC90];
	v9 =	vmul.f32 v9, v4  }
0x9f: {  	v12 =	vld [tilespmem:s22+$0xFFFFFC20];
	[tilespmem:s30+$0x50] =	vst v7;
	v7 =	vadd.f32 v8, v10  }
0xa0: {  	v10 =	vmul.f32 v15, v4;
	v8 =	vld [tilespmem:s22+$0xFFFFFCA0];
	v15 =	vmul.f32 v16, v5;
	v9 =	vadd.f32 v6, v9  }
0xa1: {  	v6 =	vmul.f32 v13, v5;
	v13 =	vld [tilespmem:s22+$0xFFFFFC30];
	[tilespmem:s30+$0x60] =	vst v7  }
0xa2: {  	v7 =	vmul.f32 v14, v4;
	v14 =	vld [tilespmem:s22+$0xFFFFFCB0];
	v10 =	vadd.f32 v15, v10;
	[tilespmem:s30+$0xFFFFFC00] =	vst v9  }
0xa3: {  	s30 =	sadd.s32 $0x800, s30;
	v9 =	vmul.f32 v11, v5;
	v11 =	vld [tilespmem:s22+$0xFFFFFC40]  }
0xa4: {  	v12 =	vmul.f32 v12, v4;
	v15 =	vld [tilespmem:s22+$0xFFFFFCC0];
	[tilespmem:s30+$0x70] =	vst v10  }
0xa5: {  	v7 =	vadd.f32 v9, v7;
	v8 =	vmul.f32 v8, v5;
	v9 =	vld [tilespmem:s22+$0xFFFFFC50]  }
0xa6: {  	v10 =	vmul.f32 v13, v4;
	v13 =	vld [tilespmem:s22+$0xFFFFFCD0]  }
0xa7: {  	[tilespmem:s30+$0xFFFFFC10] =	vst v7;
	v7 =	vadd.f32 v8, v12;
	v8 =	vmul.f32 v14, v5;
	v12 =	vld [tilespmem:s22+$0xFFFFFC60]  }
0xa8: {  	v11 =	vmul.f32 v11, v4;
	v14 =	vld [tilespmem:s22+$0xFFFFFCE0]  }
0xa9: {  	[tilespmem:s30+$0xFFFFFC20] =	vst v7;
	v7 =	vadd.f32 v8, v10;
	v8 =	vmul.f32 v15, v5;
	v10 =	vld [tilespmem:s22+$0xFFFFFC70]  }
0xaa: {  	v9 =	vmul.f32 v9, v4;
	v15 =	vld [tilespmem:s22+$0xFFFFFCF0]  }
0xab: {  	[tilespmem:s30+$0xFFFFFC30] =	vst v7;
	v7 =	vadd.f32 v8, v11;
	v8 =	vmul.f32 v13, v5;
	v11 =	vld [tilespmem:s22+$0x0]  }
0xac: {  	v12 =	vmul.f32 v12, v4;
	v13 =	vld [tilespmem:s22+$0x80]  }
0xad: {  	[tilespmem:s30+$0xFFFFFC40] =	vst v7;
	v7 =	vadd.f32 v8, v9;
	v8 =	vmul.f32 v14, v5;
	v9 =	vld [tilespmem:s22+$0x10]  }
0xae: {  	v10 =	vmul.f32 v10, v4;
	v14 =	vld [tilespmem:s22+$0x90]  }
0xaf: {  	[tilespmem:s30+$0xFFFFFC50] =	vst v7;
	v7 =	vadd.f32 v8, v12;
	v8 =	vmul.f32 v15, v5;
	v12 =	vld [tilespmem:s22+$0x20]  }
0xb0: {  	v11 =	vmul.f32 v11, v4;
	v15 =	vld [tilespmem:s22+$0xA0]  }
0xb1: {  	[tilespmem:s30+$0xFFFFFC60] =	vst v7;
	v7 =	vadd.f32 v8, v10;
	v8 =	vmul.f32 v13, v5;
	v10 =	vld [tilespmem:s22+$0x30]  }
0xb2: {  	v9 =	vmul.f32 v9, v4;
	v13 =	vld [tilespmem:s22+$0xB0]  }
0xb3: {  	[tilespmem:s30+$0xFFFFFC70] =	vst v7;
	v7 =	vadd.f32 v8, v11;
	v8 =	vmul.f32 v14, v5;
	v11 =	vld [tilespmem:s22+$0x40]  }
0xb4: {  	v12 =	vmul.f32 v12, v4;
	v14 =	vld [tilespmem:s22+$0xC0]  }
.Ltmp2:
0xb5: {  	[tilespmem:s30+$0x0] =	vst v7;
	v9 =	vadd.f32 v8, v9;
	v15 =	vmul.f32 v15, v5;
	v8 =	vld [tilespmem:s22+$0x50];
	(pc) =	sbr.rel @p1 .LBB2_3-.Ltmp2, $4  }
0xb6: {  	v16 =	vmul.f32 v10, v4;
	v7 =	vld [tilespmem:s22+$0xD0]  }
0xb7: {  	[tilespmem:s30+$0x10] =	vst v9;
	v15 =	vadd.f32 v15, v12;
	v13 =	vmul.f32 v13, v5;
	v10 =	vld [tilespmem:s22+$0x60]  }
0xb8: {  	v12 =	vmul.f32 v11, v4;
	v11 =	vld [tilespmem:s22+$0xE0]  }
0xb9: {  	v9 =	vld [tilespmem:s22+$0xFFFFFC00];
	[tilespmem:s30+$0x20] =	vst v15;
	v13 =	vadd.f32 v13, v16;
	v14 =	vmul.f32 v14, v5;
	s22 =	sadd.s32 $0x800, s22  }
0xba: {  	_ =	sdelay $0x1  }
0xbb: {  	v8 =	vmul.f32 v8, v4;
	s0 =	sadd.s32 $0x1, s0;
	v7 =	vmul.f32 v7, v5  }
0xbc: {  	v12 =	vadd.f32 v14, v12;
	p1 =	sne.s32 s0, $0x8;
	v10 =	vmul.f32 v10, v4;
	v5 =	vmul.f32 v11, v5  }
.Ltmp3:
0xbd: {  	[tilespmem:s30+$0x30] =	vst v13;
	v7 =	vadd.f32 v7, v8;
	v4 =	vmul.f32 v9, v4;
	(pc) =	sbr.rel @p1 .LBB2_2-.Ltmp3, $4  }
0xbe: {  	[tilespmem:s30+$0x40] =	vst v12;
	v5 =	vadd.f32 v5, v10  }
0xbf: {  	[tilespmem:s30+$0x50] =	vst v7;
	v4 =	vadd.f32 v6, v4  }
0xc0: {  	[tilespmem:s30+$0x60] =	vst v5  }
0xc1: {  	s2 =	sadd.s32 $0x1000, s2;
	s31 =	sadd.s32 $0x1, s31;
	s3 =	sadd.s32 $0x80, s3;
	[tilespmem:s30+$0xFFFFFC00] =	vst v4  }
0xc2: {  	p1 =	sgt.u32 s10, $0xB  }
0xc3: {  	s0 =	simm.s32 @p1 $0x0;
	s2 =	simm.s32 @p1 $0x14000  }
0xc4: {  	[hbm4b:s16+s0] =	stream.linear.scatter @p1 [tilespmem:s2], [sflag:$0x3], $0x200, $0x38;
	[tilespmem:$0x1C000] =	vst v63  }
0xc5: {  	s3 =	simm.s32 @p1 $0x14400;
	s2 =	sadd.s32 @p1 $0x80, s16  }
0xc6: {  	[hbm4b:s2+s0] =	stream.linear.scatter @p1 [tilespmem:s3], [sflag:$0x3], $0x200, $0x38;
	[tilespmem:$0x1C000] =	vst v63  }
0xc7: {  	s2 =	sadd.s32 @p1 $0x100, s16;
	s3 =	simm.s32 @p1 $0x14800  }
0xc8: {  	[hbm4b:s2+s0] =	stream.linear.scatter @p1 [tilespmem:s3], [sflag:$0x3], $0x200, $0x38;
	[tilespmem:$0x1C000] =	vst v63  }
0xc9: {  	s2 =	sadd.s32 @p1 $0x180, s16;
	s3 =	simm.s32 @p1 $0x14C00  }
0xca: {  	[hbm4b:s2+s0] =	stream.linear.scatter @p1 [tilespmem:s3], [sflag:$0x3], $0x200, $0x38;
	[tilespmem:$0x1C000] =	vst v63  }
0xcb: {  	s2 =	sadd.s32 @p1 $0x200, s16;
	s3 =	simm.s32 @p1 $0x15000  }
0xcc: {  	[hbm4b:s2+s0] =	stream.linear.scatter @p1 [tilespmem:s3], [sflag:$0x3], $0x200, $0x38;
	[tilespmem:$0x1C000] =	vst v63  }
0xcd: {  	s2 =	sadd.s32 @p1 $0x280, s16;
	s3 =	simm.s32 @p1 $0x15400  }
0xce: {  	[hbm4b:s2+s0] =	stream.linear.scatter @p1 [tilespmem:s3], [sflag:$0x3], $0x200, $0x38;
	[tilespmem:$0x1C000] =	vst v63  }
0xcf: {  	s2 =	sadd.s32 @p1 $0x300, s16;
	s3 =	simm.s32 @p1 $0x15800  }
0xd0: {  	[hbm4b:s2+s0] =	stream.linear.scatter @p1 [tilespmem:s3], [sflag:$0x3], $0x200, $0x38;
	[tilespmem:$0x1C000] =	vst v63  }
0xd1: {  	s2 =	sadd.s32 @p1 $0x380, s16;
	s3 =	simm.s32 @p1 $0x15C00  }
0xd2: {  	[hbm4b:s2+s0] =	stream.linear.scatter @p1 [tilespmem:s3], [sflag:$0x3], $0x200, $0x38;
	[tilespmem:$0x1C000] =	vst v63  }
0xd3: {  	s2 =	sadd.s32 @p1 $0x400, s16;
	s3 =	simm.s32 @p1 $0x16000  }
0xd4: {  	[hbm4b:s2+s0] =	stream.linear.scatter @p1 [tilespmem:s3], [sflag:$0x3], $0x200, $0x38;
	[tilespmem:$0x1C000] =	vst v63  }
0xd5: {  	s2 =	sadd.s32 @p1 $0x480, s16;
	s3 =	simm.s32 @p1 $0x16400  }
0xd6: {  	[hbm4b:s2+s0] =	stream.linear.scatter @p1 [tilespmem:s3], [sflag:$0x3], $0x200, $0x38;
	[tilespmem:$0x1C000] =	vst v63  }
0xd7: {  	s2 =	sadd.s32 @p1 $0x500, s16;
	s3 =	simm.s32 @p1 $0x16800  }
0xd8: {  	[hbm4b:s2+s0] =	stream.linear.scatter @p1 [tilespmem:s3], [sflag:$0x3], $0x200, $0x38;
	[tilespmem:$0x1C000] =	vst v63  }
0xd9: {  	s2 =	sadd.s32 @p1 $0x580, s16;
	s3 =	simm.s32 @p1 $0x16C00  }
0xda: {  	[hbm4b:s2+s0] =	stream.linear.scatter @p1 [tilespmem:s3], [sflag:$0x3], $0x200, $0x38;
	[tilespmem:$0x1C000] =	vst v63  }
0xdb: {  	s2 =	sadd.s32 @p1 $0x600, s16;
	s3 =	simm.s32 @p1 $0x17000  }
0xdc: {  	[hbm4b:s2+s0] =	stream.linear.scatter @p1 [tilespmem:s3], [sflag:$0x3], $0x200, $0x38;
	[tilespmem:$0x1C000] =	vst v63  }
0xdd: {  	s2 =	sadd.s32 @p1 $0x680, s16;
	s3 =	simm.s32 @p1 $0x17400  }
0xde: {  	[hbm4b:s2+s0] =	stream.linear.scatter @p1 [tilespmem:s3], [sflag:$0x3], $0x200, $0x38;
	[tilespmem:$0x1C000] =	vst v63  }
0xdf: {  	s2 =	sadd.s32 @p1 $0x700, s16;
	s3 =	simm.s32 @p1 $0x17800  }
0xe0: {  	[hbm4b:s2+s0] =	stream.linear.scatter @p1 [tilespmem:s3], [sflag:$0x3], $0x200, $0x38;
	[tilespmem:$0x1C000] =	vst v63  }
.Ltmp4:
0xe1: {  	_ = 	snop;
	(pc) =	sbr.rel @p0 .LBB2_11-.Ltmp4, $4  }
0xe2: {  	s2 =	sadd.s32 @p1 $0x780, s16;
	s3 =	simm.s32 @p1 $0x17C00  }
0xe3: {  	[hbm4b:s2+s0] =	stream.linear.scatter @p1 [tilespmem:s3], [sflag:$0x3], $0x200, $0x38;
	[tilespmem:$0x1C000] =	vst v63  }
0xe4: {  	s0 =	simm.s32 @!p1 $0x0;
	s2 =	simm.s32 @!p1 $0x14000  }
0xe5: {  	[hbm4b:s14+s0] =	stream.linear.scatter @!p1 [tilespmem:s2], [sflag:$0x3], $0x4000, $0x38;
	[tilespmem:$0x1C000] =	vst v63  }
0xe6: {  	_ =	swait.ge [sflag:s28], $0x8000  }
0xe7: {  	[sflag:s28] =	ssyncset.done $0x0  }
0xe8: {  	[sflag:s28] =	ssyncadd.s32 $0xFFFF8000  }
0xe9: {  	v3 =	vld [tilespmem:s5+$0x3000];
	_ =	sdelay $0x4  }
0xea: {  	v3 =	vcvt.s32.f32 v3  }
0xeb: {  	s30 =	simm.s32 $0x0  }
0xec: {  	s31 =	simm.s32 $0x18400;
	s2 =	simm.s32 $0x0;
	s0 =	simm.s32 $0x0;
	v3 =	vmul.f32 $5.960464480e-08, v3  }
.LBB2_7:
0xed: {  	s3 =	sshll.u32 s2, $0x2;
	s21 =	sand.u32 $0x3, s30  }
0xee: {  	s3 =	sand.u32 $0xFFFF0000, s3;
	s21 =	sshll.u32 s21, $0xA  }
0xef: {  	s3 =	sor.u32 s21, s3  }
0xf0: {  	s3 =	sshrl.u32 s3, $0x2  }
0xf1: {  	s3 =	sadd.s32 $0xC400, s3  }
0xf2: {  	v6 =	vld [tilespmem:s3+$0x70]  }
0xf3: {  	v7 =	vld [tilespmem:s3+$0xF0]  }
0xf4: {  	v9 =	vld [tilespmem:s3+$0xFFFFFC80]  }
0xf5: {  	v8 =	vld [tilespmem:s3+$0xFFFFFC10]  }
0xf6: {  	v10 =	vld [tilespmem:s3+$0xFFFFFC90]  }
0xf7: {  	v11 =	vld [tilespmem:s3+$0xFFFFFC20]  }
0xf8: {  	v12 =	vld [tilespmem:s3+$0xFFFFFCA0]  }
0xf9: {  	v13 =	vld [tilespmem:s3+$0xFFFFFC30]  }
0xfa: {  	v14 =	vld [tilespmem:s3+$0xFFFFFCB0]  }
0xfb: {  	v15 =	vld [tilespmem:s3+$0xFFFFFC40]  }
0xfc: {  	v16 =	vld [tilespmem:s3+$0xFFFFFCC0]  }
0xfd: {  	v17 =	vld [tilespmem:s3+$0xFFFFFC50]  }
0xfe: {  	v18 =	vld [tilespmem:s3+$0xFFFFFCD0]  }
0xff: {  	s22 =	sor.u32 $0x8, s0;
	v19 =	vld [tilespmem:s3+$0xFFFFFC60]  }
0x100: {  	v4 =	vmov s0;
	v5 =	vmov s22;
	v20 =	vld [tilespmem:s3+$0xFFFFFCE0]  }
0x101: {  	v4 =	vperm.xlane v3, v4;
	v5 =	vperm.xlane v3, v5;
	v21 =	vld [tilespmem:s3+$0xFFFFFC70]  }
0x102: {  	v22 =	vld [tilespmem:s3+$0xFFFFFCF0]  }
0x103: {  	v23 =	vld [tilespmem:s3+$0x0];
	v6 =	vmul.f32 v6, v4;
	v7 =	vmul.f32 v7, v5  }
0x104: {  	v24 =	vld [tilespmem:s3+$0x80];
	v8 =	vmul.f32 v8, v4;
	v10 =	vmul.f32 v10, v5  }
0x105: {  	v59 =	vld [tilespmem:s3+$0xA0];
	v6 =	vadd.f32 v7, v6;
	v7 =	vmul.f32 v11, v4;
	v11 =	vmul.f32 v12, v5  }
0x106: {  	v12 =	vld [tilespmem:s3+$0x10];
	v8 =	vadd.f32 v10, v8;
	v10 =	vmul.f32 v13, v4;
	v13 =	vmul.f32 v14, v5  }
0x107: {  	v14 =	vld [tilespmem:s3+$0x90];
	[tilespmem:s31+$0x70] =	vst v6;
	v6 =	vadd.f32 v11, v7;
	v7 =	vmul.f32 v15, v4;
	v11 =	vmul.f32 v16, v5  }
0x108: {  	v15 =	vld [tilespmem:s3+$0x20];
	[tilespmem:s31+$0xFFFFFC10] =	vst v8;
	v8 =	vadd.f32 v13, v10;
	v10 =	vmul.f32 v17, v4;
	v13 =	vmul.f32 v18, v5  }
0x109: {  	v60 =	vld [tilespmem:s3+$0x30];
	[tilespmem:s31+$0xFFFFFC20] =	vst v6;
	v6 =	vadd.f32 v11, v7;
	v7 =	vmul.f32 v19, v4;
	v11 =	vmul.f32 v20, v5  }
0x10a: {  	v61 =	vld [tilespmem:s3+$0xB0];
	[tilespmem:s31+$0xFFFFFC30] =	vst v8;
	v8 =	vadd.f32 v13, v10;
	v10 =	vmul.f32 v21, v4;
	v13 =	vmul.f32 v22, v5  }
0x10b: {  	v62 =	vld [tilespmem:s3+$0x40];
	[tilespmem:s31+$0xFFFFFC40] =	vst v6;
	v6 =	vadd.f32 v11, v7;
	v7 =	vmul.f32 v23, v4;
	v11 =	vmul.f32 v24, v5  }
0x10c: {  	v12 =	vmul.f32 v12, v4;
	[tilespmem:s31+$0xFFFFFC50] =	vst v8;
	v10 =	vadd.f32 v13, v10;
	v13 =	vmul.f32 v14, v5;
	v14 =	vld [tilespmem:s3+$0xC0]  }
0x10d: {  	v8 =	vld [tilespmem:s3+$0x50];
	[tilespmem:s31+$0xFFFFFC60] =	vst v6;
	v6 =	vadd.f32 v11, v7;
	v11 =	vmul.f32 v15, v4;
	v15 =	vmul.f32 v59, v5  }
0x10e: {  	[tilespmem:s31+$0xFFFFFC70] =	vst v10;
	v12 =	vadd.f32 v13, v12;
	v7 =	vld [tilespmem:s3+$0xD0]  }
0x10f: {  	v63 =	vmul.f32 v61, v5;
	v13 =	vmul.f32 v60, v4;
	v10 =	vld [tilespmem:s3+$0x60];
	[tilespmem:s31+$0x0] =	vst v6;
	v15 =	vadd.f32 v15, v11  }
0x110: {  	v6 =	vmul.f32 v9, v5;
	[tilespmem:s31+$0x10] =	vst v12;
	v11 =	vld [tilespmem:s3+$0xE0]  }
0x111: {  	s21 =	simm.s32 $0x0;
	s22 =	sadd.s32 $0x800, s3;
	v12 =	vmul.f32 v62, v4;
	v9 =	vld [tilespmem:s3+$0xFFFFFC00];
	v13 =	vadd.f32 v63, v13;
	s3 =	smov.u32 s31;
	v14 =	vmul.f32 v14, v5;
	[tilespmem:s31+$0x20] =	vst v15  }
.LBB2_8:
0x112: {  	v15 =	vld [tilespmem:s22+$0x70];
	v8 =	vmul.f32 v8, v4  }
0x113: {  	s21 =	sadd.s32 $0x100, s21;
	v16 =	vld [tilespmem:s22+$0xF0];
	[tilespmem:s3+$0x30] =	vst v13;
	v12 =	vadd.f32 v14, v12;
	v7 =	vmul.f32 v7, v5  }
0x114: {  	p2 =	slt.u32 s21, $0x700;
	v13 =	vld [tilespmem:s22+$0xFFFFFC80];
	v10 =	vmul.f32 v10, v4  }
0x115: {  	v14 =	vld [tilespmem:s22+$0xFFFFFC10];
	[tilespmem:s3+$0x40] =	vst v12;
	v7 =	vadd.f32 v7, v8;
	v8 =	vmul.f32 v11, v5  }
0x116: {  	v11 =	vld [tilespmem:s22+$0xFFFFFC90];
	v9 =	vmul.f32 v9, v4  }
0x117: {  	v12 =	vld [tilespmem:s22+$0xFFFFFC20];
	[tilespmem:s3+$0x50] =	vst v7;
	v7 =	vadd.f32 v8, v10  }
0x118: {  	v10 =	vmul.f32 v15, v4;
	v8 =	vld [tilespmem:s22+$0xFFFFFCA0];
	v15 =	vmul.f32 v16, v5;
	v9 =	vadd.f32 v6, v9  }
0x119: {  	v6 =	vmul.f32 v13, v5;
	v13 =	vld [tilespmem:s22+$0xFFFFFC30];
	[tilespmem:s3+$0x60] =	vst v7  }
0x11a: {  	v7 =	vmul.f32 v14, v4;
	v14 =	vld [tilespmem:s22+$0xFFFFFCB0];
	v10 =	vadd.f32 v15, v10;
	[tilespmem:s3+$0xFFFFFC00] =	vst v9  }
0x11b: {  	s3 =	sadd.s32 $0x800, s3;
	v9 =	vmul.f32 v11, v5;
	v11 =	vld [tilespmem:s22+$0xFFFFFC40]  }
0x11c: {  	v12 =	vmul.f32 v12, v4;
	v15 =	vld [tilespmem:s22+$0xFFFFFCC0];
	[tilespmem:s3+$0x70] =	vst v10  }
0x11d: {  	v7 =	vadd.f32 v9, v7;
	v8 =	vmul.f32 v8, v5;
	v9 =	vld [tilespmem:s22+$0xFFFFFC50]  }
0x11e: {  	v10 =	vmul.f32 v13, v4;
	v13 =	vld [tilespmem:s22+$0xFFFFFCD0]  }
0x11f: {  	[tilespmem:s3+$0xFFFFFC10] =	vst v7;
	v7 =	vadd.f32 v8, v12;
	v8 =	vmul.f32 v14, v5;
	v12 =	vld [tilespmem:s22+$0xFFFFFC60]  }
0x120: {  	v11 =	vmul.f32 v11, v4;
	v14 =	vld [tilespmem:s22+$0xFFFFFCE0]  }
0x121: {  	[tilespmem:s3+$0xFFFFFC20] =	vst v7;
	v7 =	vadd.f32 v8, v10;
	v8 =	vmul.f32 v15, v5;
	v10 =	vld [tilespmem:s22+$0xFFFFFC70]  }
0x122: {  	v9 =	vmul.f32 v9, v4;
	v15 =	vld [tilespmem:s22+$0xFFFFFCF0]  }
0x123: {  	[tilespmem:s3+$0xFFFFFC30] =	vst v7;
	v7 =	vadd.f32 v8, v11;
	v8 =	vmul.f32 v13, v5;
	v11 =	vld [tilespmem:s22+$0x0]  }
0x124: {  	v12 =	vmul.f32 v12, v4;
	v13 =	vld [tilespmem:s22+$0x80]  }
0x125: {  	[tilespmem:s3+$0xFFFFFC40] =	vst v7;
	v7 =	vadd.f32 v8, v9;
	v8 =	vmul.f32 v14, v5;
	v9 =	vld [tilespmem:s22+$0x10]  }
0x126: {  	v10 =	vmul.f32 v10, v4;
	v14 =	vld [tilespmem:s22+$0x90]  }
0x127: {  	[tilespmem:s3+$0xFFFFFC50] =	vst v7;
	v7 =	vadd.f32 v8, v12;
	v8 =	vmul.f32 v15, v5;
	v12 =	vld [tilespmem:s22+$0x20]  }
0x128: {  	v11 =	vmul.f32 v11, v4;
	v15 =	vld [tilespmem:s22+$0xA0]  }
0x129: {  	[tilespmem:s3+$0xFFFFFC60] =	vst v7;
	v7 =	vadd.f32 v8, v10;
	v8 =	vmul.f32 v13, v5;
	v10 =	vld [tilespmem:s22+$0x30]  }
0x12a: {  	v9 =	vmul.f32 v9, v4;
	v13 =	vld [tilespmem:s22+$0xB0]  }
0x12b: {  	[tilespmem:s3+$0xFFFFFC70] =	vst v7;
	v7 =	vadd.f32 v8, v11;
	v8 =	vmul.f32 v14, v5;
	v11 =	vld [tilespmem:s22+$0x40]  }
0x12c: {  	v12 =	vmul.f32 v12, v4;
	v14 =	vld [tilespmem:s22+$0xC0]  }
.Ltmp5:
0x12d: {  	[tilespmem:s3+$0x0] =	vst v7;
	v9 =	vadd.f32 v8, v9;
	v15 =	vmul.f32 v15, v5;
	v8 =	vld [tilespmem:s22+$0x50];
	(pc) =	sbr.rel @p2 .LBB2_8-.Ltmp5, $4  }
0x12e: {  	v16 =	vmul.f32 v10, v4;
	v7 =	vld [tilespmem:s22+$0xD0]  }
0x12f: {  	[tilespmem:s3+$0x10] =	vst v9;
	v15 =	vadd.f32 v15, v12;
	v13 =	vmul.f32 v13, v5;
	v10 =	vld [tilespmem:s22+$0x60]  }
0x130: {  	v12 =	vmul.f32 v11, v4;
	v11 =	vld [tilespmem:s22+$0xE0]  }
0x131: {  	v9 =	vld [tilespmem:s22+$0xFFFFFC00];
	[tilespmem:s3+$0x20] =	vst v15;
	v13 =	vadd.f32 v13, v16;
	v14 =	vmul.f32 v14, v5;
	s22 =	sadd.s32 $0x800, s22  }
0x132: {  	_ =	sdelay $0x1  }
0x133: {  	v8 =	vmul.f32 v8, v4;
	s0 =	sadd.s32 $0x1, s0;
	v7 =	vmul.f32 v7, v5  }
0x134: {  	v12 =	vadd.f32 v14, v12;
	p2 =	sne.s32 s0, $0x8;
	v10 =	vmul.f32 v10, v4;
	v5 =	vmul.f32 v11, v5  }
.Ltmp6:
0x135: {  	[tilespmem:s3+$0x30] =	vst v13;
	v7 =	vadd.f32 v7, v8;
	v4 =	vmul.f32 v9, v4;
	(pc) =	sbr.rel @p2 .LBB2_7-.Ltmp6, $4  }
0x136: {  	[tilespmem:s3+$0x40] =	vst v12;
	v5 =	vadd.f32 v5, v10  }
0x137: {  	[tilespmem:s3+$0x50] =	vst v7;
	v4 =	vadd.f32 v6, v4  }
0x138: {  	[tilespmem:s3+$0x60] =	vst v5  }
0x139: {  	s2 =	sadd.s32 $0x1000, s2;
	s30 =	sadd.s32 $0x1, s30;
	s31 =	sadd.s32 $0x80, s31;
	[tilespmem:s3+$0xFFFFFC00] =	vst v4  }
0x13a: {  	p2 =	sgt.u32 s15, $0xB  }
0x13b: {  	s0 =	simm.s32 @p2 $0x0;
	s2 =	simm.s32 @p2 $0x18000  }
0x13c: {  	[hbm4b:s17+s0] =	stream.linear.scatter @p2 [tilespmem:s2], [sflag:$0x3], $0x200, $0x38;
	[tilespmem:$0x1C000] =	vst v63  }
0x13d: {  	s3 =	simm.s32 @p2 $0x18400;
	s2 =	sadd.s32 @p2 $0x80, s17  }
0x13e: {  	[hbm4b:s2+s0] =	stream.linear.scatter @p2 [tilespmem:s3], [sflag:$0x3], $0x200, $0x38;
	[tilespmem:$0x1C000] =	vst v63  }
0x13f: {  	s2 =	sadd.s32 @p2 $0x100, s17;
	s3 =	simm.s32 @p2 $0x18800  }
0x140: {  	[hbm4b:s2+s0] =	stream.linear.scatter @p2 [tilespmem:s3], [sflag:$0x3], $0x200, $0x38;
	[tilespmem:$0x1C000] =	vst v63  }
0x141: {  	s2 =	sadd.s32 @p2 $0x180, s17;
	s3 =	simm.s32 @p2 $0x18C00  }
0x142: {  	[hbm4b:s2+s0] =	stream.linear.scatter @p2 [tilespmem:s3], [sflag:$0x3], $0x200, $0x38;
	[tilespmem:$0x1C000] =	vst v63  }
0x143: {  	s2 =	sadd.s32 @p2 $0x200, s17;
	s3 =	simm.s32 @p2 $0x19000  }
0x144: {  	[hbm4b:s2+s0] =	stream.linear.scatter @p2 [tilespmem:s3], [sflag:$0x3], $0x200, $0x38;
	[tilespmem:$0x1C000] =	vst v63  }
0x145: {  	s2 =	sadd.s32 @p2 $0x280, s17;
	s3 =	simm.s32 @p2 $0x19400  }
0x146: {  	[hbm4b:s2+s0] =	stream.linear.scatter @p2 [tilespmem:s3], [sflag:$0x3], $0x200, $0x38;
	[tilespmem:$0x1C000] =	vst v63  }
0x147: {  	s2 =	sadd.s32 @p2 $0x300, s17;
	s3 =	simm.s32 @p2 $0x19800  }
0x148: {  	[hbm4b:s2+s0] =	stream.linear.scatter @p2 [tilespmem:s3], [sflag:$0x3], $0x200, $0x38;
	[tilespmem:$0x1C000] =	vst v63  }
0x149: {  	s2 =	sadd.s32 @p2 $0x380, s17;
	s3 =	simm.s32 @p2 $0x19C00  }
0x14a: {  	[hbm4b:s2+s0] =	stream.linear.scatter @p2 [tilespmem:s3], [sflag:$0x3], $0x200, $0x38;
	[tilespmem:$0x1C000] =	vst v63  }
0x14b: {  	s2 =	sadd.s32 @p2 $0x400, s17;
	s3 =	simm.s32 @p2 $0x1A000  }
0x14c: {  	[hbm4b:s2+s0] =	stream.linear.scatter @p2 [tilespmem:s3], [sflag:$0x3], $0x200, $0x38;
	[tilespmem:$0x1C000] =	vst v63  }
0x14d: {  	s2 =	sadd.s32 @p2 $0x480, s17;
	s3 =	simm.s32 @p2 $0x1A400  }
0x14e: {  	[hbm4b:s2+s0] =	stream.linear.scatter @p2 [tilespmem:s3], [sflag:$0x3], $0x200, $0x38;
	[tilespmem:$0x1C000] =	vst v63  }
0x14f: {  	s2 =	sadd.s32 @p2 $0x500, s17;
	s3 =	simm.s32 @p2 $0x1A800  }
0x150: {  	[hbm4b:s2+s0] =	stream.linear.scatter @p2 [tilespmem:s3], [sflag:$0x3], $0x200, $0x38;
	[tilespmem:$0x1C000] =	vst v63  }
0x151: {  	s2 =	sadd.s32 @p2 $0x580, s17;
	s3 =	simm.s32 @p2 $0x1AC00  }
0x152: {  	[hbm4b:s2+s0] =	stream.linear.scatter @p2 [tilespmem:s3], [sflag:$0x3], $0x200, $0x38;
	[tilespmem:$0x1C000] =	vst v63  }
0x153: {  	s2 =	sadd.s32 @p2 $0x600, s17;
	s3 =	simm.s32 @p2 $0x1B000  }
0x154: {  	[hbm4b:s2+s0] =	stream.linear.scatter @p2 [tilespmem:s3], [sflag:$0x3], $0x200, $0x38;
	[tilespmem:$0x1C000] =	vst v63  }
0x155: {  	s2 =	sadd.s32 @p2 $0x680, s17;
	s3 =	simm.s32 @p2 $0x1B400  }
0x156: {  	[hbm4b:s2+s0] =	stream.linear.scatter @p2 [tilespmem:s3], [sflag:$0x3], $0x200, $0x38;
	[tilespmem:$0x1C000] =	vst v63  }
0x157: {  	s2 =	sadd.s32 @p2 $0x700, s17;
	s3 =	simm.s32 @p2 $0x1B800  }
0x158: {  	[hbm4b:s2+s0] =	stream.linear.scatter @p2 [tilespmem:s3], [sflag:$0x3], $0x200, $0x38;
	[tilespmem:$0x1C000] =	vst v63  }
0x159: {  	s2 =	sadd.s32 @p2 $0x780, s17;
	s3 =	simm.s32 @p2 $0x1BC00  }
0x15a: {  	[hbm4b:s2+s0] =	stream.linear.scatter @p2 [tilespmem:s3], [sflag:$0x3], $0x200, $0x38;
	[tilespmem:$0x1C000] =	vst v63  }
0x15b: {  	s0 =	simm.s32 @p2 $0x3  }
0x15c: {  	_ =	swait.ge @p2 [sflag:s0], $0x2000  }
0x15d: {  	[sflag:s0] =	ssyncset.done @p2 $0x0  }
0x15e: {  	s2 =	simm.s32 @!p2 $0x18000;
	[sflag:s0] =	ssyncadd.s32 @p2 $0xFFFFE000;
	s0 =	simm.s32 @!p2 $0x0  }
0x15f: {  	[hbm4b:s18+s0] =	stream.linear.scatter @!p2 [tilespmem:s2], [sflag:$0x3], $0x4000, $0x38;
	[tilespmem:$0x1C000] =	vst v63  }
.Ltmp7:
0x160: {  	_ = 	snop;
	(pc) =	sbr.rel .LBB2_11-.Ltmp7, $4  }
0x161: {  	s0 =	simm.s32 @!p2 $0x3  }
0x162: {  	_ =	swait.ge @!p2 [sflag:s0], $0x4000  }
0x163: {  	[sflag:s0] =	ssyncset.done @!p2 $0x0  }
0x164: {  	[sflag:s0] =	ssyncadd.s32 @!p2 $0xFFFFC000  }
.LBB2_12:
0x165: {  	_ =	sfence.sel $0x180000  }
0x166: {  	[bflag:$0x0] =	sbarrier.arrive $0xFFFF  }
0x167: {  	_ =	strace $0x90000047  }
0x168: {  	s0 =	stileid.u32;
	[bflag:$0x2] =	sbarrier.arrive $0xFFFF  }
0x169: {  	p0 =	sne.s32 s0, $0x0;
	s0 =	rddreg [dreg:$0x3]  }
0x16a: {  	s0 =	sadd.s32 @!p0 $0x100000, s0  }
0x16b: {  	[sflag:s0] =	ssyncadd.tile.s32 @!p0 $0x1;
	_ =	shalt  }
.Lfunc_end2:
_tile_overlayer_lowered:
.L_overlay_start_2:
0x16c: {  	(tag) =	ssettag $0x2  }
0x16d: {  	s0 =	rddreg [dreg:$0x0];
	s2 =	stileid.u32  }
0x16e: {  	s1 =	rddreg [dreg:$0x1];
	p0 =	sne.s32 s2, $0x0  }
0x16f: {  	s3 =	rddreg [dreg:$0x2];
	[bflag:$0x3] =	sbarrier.arrive $0xFFFF;
	s2 =	simm.s32 @!p0 $0x1C04  }
0x170: {  	[timem:s3], [sflag:s2] =	dma.local @!p0 [hbm:s0], s1  }
0x171: {  	s0 =	simm.s32 @!p0 $0x4  }
0x172: {  	_ =	swait.ge @!p0 [sflag:s0], s1  }
0x173: {  	s1 =	ssub.s32 @!p0 $0x0, s1;
	[sflag:s0] =	ssyncset.done @!p0 $0x0  }
0x174: {  	[sflag:s0] =	ssyncadd.s32 @!p0 s1  }
0x175: {  	[bflag:$0x3] =	sbarrier.arrive $0xFFFF  }
0x176: {  	_ =	shalt  }

</sc_bundles>
